<compile_context>
chip_gen: v7x
topology: tpu7x:2x2x1
jax: 0.10.2.dev20260603
libtpu: 0.0.44.dev20260713+nightly
codegen_flags: <defaults>
</compile_context>

<pallas_src>
import jax
import jax.numpy as jnp
from jax import lax
from jax.experimental import pallas as pl
from jax.experimental.pallas import tpu as pltpu
from jax.experimental.pallas import tpu_sc as plsc

N_NODES = 10000
N_EDGES = 320000
FDIM = 128
NC = 2
NS = 16
NW = NC * NS
EDGES_PER_TILE = N_EDGES // NW
CHUNK = 125
NCHUNK = EDGES_PER_TILE // CHUNK
NPAD = 10112
ROWS_PER_TILE = NPAD // NS
DEGW = 16


IDXBLK = 40


def _sc_agg_body(x_hbm, src_hbm, dst_hbm, z_hbm, acc_out,
                 src_v, dst_v, g0, g1, acc_sh, sem0, sem1):
    c = lax.axis_index("c")
    s = lax.axis_index("s")
    t = c * NS + s

    rs = pl.ds(s * ROWS_PER_TILE, ROWS_PER_TILE)
    pltpu.sync_copy(z_hbm, acc_sh.at[rs])
    plsc.subcore_barrier()

    for blk in range(NCHUNK // IDXBLK):
        bs = pl.ds(blk * IDXBLK, IDXBLK)
        pltpu.sync_copy(src_hbm.at[t].at[bs], src_v)
        pltpu.sync_copy(dst_hbm.at[t].at[bs], dst_v)
        pltpu.async_copy(x_hbm.at[src_v.at[0]], g0, sem0)

        def body(i, carry):
            a = 2 * i
            b = a + 1
            nxt = a + 2
            pltpu.make_async_copy(x_hbm.at[src_v.at[a]], g0, sem0).wait()
            pltpu.async_copy(x_hbm.at[src_v.at[b]], g1, sem1)
            pltpu.sync_copy(g0, acc_sh.at[dst_v.at[a]], add=True)
            pltpu.make_async_copy(x_hbm.at[src_v.at[b]], g1, sem1).wait()

            @pl.when(nxt < IDXBLK)
            def _():
                pltpu.async_copy(x_hbm.at[src_v.at[nxt]], g0, sem0)

            pltpu.sync_copy(g1, acc_sh.at[dst_v.at[b]], add=True)
            return carry

        lax.fori_loop(0, IDXBLK // 2, body, 0)

    plsc.subcore_barrier()
    pltpu.sync_copy(acc_sh.at[rs], acc_out.at[c].at[rs])


_sc_agg = pl.kernel(
    _sc_agg_body,
    out_type=jax.ShapeDtypeStruct((NC, NPAD, FDIM), jnp.float32),
    mesh=plsc.VectorSubcoreMesh(core_axis_name="c", subcore_axis_name="s"),
    scratch_types=[
        pltpu.VMEM((IDXBLK, CHUNK), jnp.int32),
        pltpu.VMEM((IDXBLK, CHUNK), jnp.int32),
        pltpu.VMEM((CHUNK, FDIM), jnp.float32),
        pltpu.VMEM((CHUNK, FDIM), jnp.float32),
        pltpu.VMEM_SHARED((NPAD, FDIM), jnp.float32),
        pltpu.SemaphoreType.DMA,
        pltpu.SemaphoreType.DMA,
    ],
)


def _sc_deg_body(dst8_hbm, zd_hbm, ones_hbm, deg_out, dst_v, ones_v, deg_sh,
                 sem):
    c = lax.axis_index("c")
    s = lax.axis_index("s")
    t = c * NS + s

    pltpu.sync_copy(dst8_hbm.at[t], dst_v)
    pltpu.sync_copy(ones_hbm, ones_v)
    rs = pl.ds(s * ROWS_PER_TILE, ROWS_PER_TILE)
    pltpu.sync_copy(zd_hbm, deg_sh.at[rs])
    plsc.subcore_barrier()

    def fire(i, carry):
        pltpu.async_copy(ones_v, deg_sh.at[dst_v.at[i]], sem, add=True)
        return carry

    def drain(i, carry):
        pltpu.make_async_copy(ones_v, deg_sh.at[dst_v.at[i]], sem).wait()
        return carry

    lax.fori_loop(0, NCHUNK, fire, 0)
    lax.fori_loop(0, NCHUNK, drain, 0)
    plsc.subcore_barrier()
    pltpu.sync_copy(deg_sh.at[rs], deg_out.at[c].at[rs])


_sc_deg = pl.kernel(
    _sc_deg_body,
    out_type=jax.ShapeDtypeStruct((NC, NPAD, DEGW), jnp.float32),
    mesh=plsc.VectorSubcoreMesh(core_axis_name="c", subcore_axis_name="s"),
    scratch_types=[
        pltpu.VMEM((NCHUNK, CHUNK), jnp.int32),
        pltpu.VMEM((CHUNK, DEGW), jnp.float32),
        pltpu.VMEM_SHARED((NPAD, DEGW), jnp.float32),
        pltpu.SemaphoreType.DMA,
    ],
)


def _tc_layer_body(x_ref, acc_ref, deg_ref, ws_ref, wn_ref, b_ref, o_ref):
    deg = deg_ref[0, :, 0:1] + deg_ref[1, :, 0:1]
    mean = (acc_ref[0] + acc_ref[1]) / jnp.maximum(deg, 1.0)
    h = (jnp.dot(x_ref[...], ws_ref[...], preferred_element_type=jnp.float32)
         + jnp.dot(mean, wn_ref[...], preferred_element_type=jnp.float32)
         + b_ref[...])
    o_ref[...] = jnp.maximum(h, 0.0)


def _tc_final_body(x_ref, acc_ref, deg_ref, ws_ref, wn_ref, b_ref,
                   wc_ref, bc_ref, o_ref, accum):
    i = pl.program_id(0)
    deg = deg_ref[0, :, 0:1] + deg_ref[1, :, 0:1]
    mean = (acc_ref[0] + acc_ref[1]) / jnp.maximum(deg, 1.0)
    h = (jnp.dot(x_ref[...], ws_ref[...], preferred_element_type=jnp.float32)
         + jnp.dot(mean, wn_ref[...], preferred_element_type=jnp.float32)
         + b_ref[...])
    h = jnp.maximum(h, 0.0)

    @pl.when(i == 0)
    def _():
        accum[...] = jnp.zeros_like(accum)

    accum[...] += jnp.sum(h, axis=0, keepdims=True)

    @pl.when(i == pl.num_programs(0) - 1)
    def _():
        hg = accum[...] * (1.0 / N_NODES)
        o_ref[...] = (jnp.dot(hg, wc_ref[...], preferred_element_type=jnp.float32)
                      + bc_ref[...])


_BLK = 1000
_GRID = N_NODES // _BLK

_COMMON_SPECS = [
    pl.BlockSpec((_BLK, FDIM), lambda i: (i, 0)),
    pl.BlockSpec((NC, _BLK, FDIM), lambda i: (0, i, 0)),
    pl.BlockSpec((NC, _BLK, DEGW), lambda i: (0, i, 0)),
    pl.BlockSpec((FDIM, FDIM), lambda i: (0, 0)),
    pl.BlockSpec((FDIM, FDIM), lambda i: (0, 0)),
    pl.BlockSpec((1, FDIM), lambda i: (0, 0)),
]


def _tc_layer(x, acc, deg, ws, wn, b):
    return pl.pallas_call(
        _tc_layer_body,
        grid=(_GRID,),
        in_specs=list(_COMMON_SPECS),
        out_specs=pl.BlockSpec((_BLK, FDIM), lambda i: (i, 0)),
        out_shape=jax.ShapeDtypeStruct((N_NODES, FDIM), jnp.float32),
    )(x, acc, deg, ws, wn, b)


def _tc_final(x, acc, deg, ws, wn, b, wc, bc):
    return pl.pallas_call(
        _tc_final_body,
        grid=(_GRID,),
        in_specs=list(_COMMON_SPECS) + [
            pl.BlockSpec((FDIM, FDIM), lambda i: (0, 0)),
            pl.BlockSpec((1, FDIM), lambda i: (0, 0)),
        ],
        out_specs=pl.BlockSpec((1, FDIM), lambda i: (0, 0)),
        out_shape=jax.ShapeDtypeStruct((1, FDIM), jnp.float32),
        scratch_shapes=[pltpu.VMEM((1, FDIM), jnp.float32)],
    )(x, acc, deg, ws, wn, b, wc, bc)


def kernel(x, edge_index, W_self1, W_neigh1, b1, W_self2, W_neigh2, b2,
           W_cls, b_cls):
    src = edge_index[0].reshape(NW, NCHUNK, CHUNK)
    dst = edge_index[1].reshape(NW, NCHUNK, CHUNK)
    dst8 = dst * 8
    z = jnp.zeros((ROWS_PER_TILE, FDIM), jnp.float32)
    zd = jnp.zeros((ROWS_PER_TILE, DEGW), jnp.float32)
    ones = jnp.ones((CHUNK, DEGW), jnp.float32)
    b1r = b1.reshape(1, FDIM)
    b2r = b2.reshape(1, FDIM)
    wc = jnp.zeros((FDIM, FDIM), jnp.float32).at[:, :W_cls.shape[1]].set(W_cls)
    bc = jnp.zeros((1, FDIM), jnp.float32).at[0, :b_cls.shape[0]].set(b_cls)

    deg = _sc_deg(dst8, zd, ones)
    acc1 = _sc_agg(x, src, dst, z)
    h1 = _tc_layer(x, acc1, deg, W_self1, W_neigh1, b1r)
    acc2 = _sc_agg(h1, src, dst, z)
    out = _tc_final(h1, acc2, deg, W_self2, W_neigh2, b2r, wc, bc)
    return out[:, :W_cls.shape[1]]

# --- scband reference (transcript-rebuilt; emitter-appended) ---
"""Pipeline reference for scband-classifier-17102559773030 (READ-ONLY COPY).

The authoritative reference and input builder live on the scoring server;
editing this copy changes nothing except your own understanding.
"""

import jax, jax.numpy as jnp
import numpy as np

N = 10000
E = 320000
D = 128
H = 128
C = 10


def setup_inputs(seed: int = 0) -> dict:
    key = jax.random.key(seed)
    ks = jax.random.split(key, 12)
    x = jax.random.normal(ks[0], (N, D), dtype=jnp.float32)
    edge_index = jax.random.randint(ks[1], (2, E), 0, N, dtype=jnp.int32)
    s = 1.0 / np.sqrt(D)
    sh = 1.0 / np.sqrt(H)
    W_self1 = jax.random.normal(ks[2], (D, H), dtype=jnp.float32) * s
    W_neigh1 = jax.random.normal(ks[3], (D, H), dtype=jnp.float32) * s
    b1 = jnp.zeros((H,), dtype=jnp.float32)
    W_self2 = jax.random.normal(ks[4], (H, H), dtype=jnp.float32) * sh
    W_neigh2 = jax.random.normal(ks[5], (H, H), dtype=jnp.float32) * sh
    b2 = jnp.zeros((H,), dtype=jnp.float32)
    W_cls = jax.random.normal(ks[6], (H, C), dtype=jnp.float32) * sh
    b_cls = jnp.zeros((C,), dtype=jnp.float32)
    return {
        "x": x,
        "edge_index": edge_index,
        "W_self1": W_self1,
        "W_neigh1": W_neigh1,
        "b1": b1,
        "W_self2": W_self2,
        "W_neigh2": W_neigh2,
        "b2": b2,
        "W_cls": W_cls,
        "b_cls": b_cls,
    }


def _sage_conv(x, edge_index, W_self, W_neigh, b):
    # DGL SAGEConv with 'mean' aggregator:
    #   h_neigh = fc_neigh(mean_{j in N(i)} h_j)
    #   rst = fc_self(h_i) + h_neigh + bias, then activation (relu)
    src = edge_index[0]
    dst = edge_index[1]
    msg = jnp.take(x, src, axis=0)
    agg = jax.ops.segment_sum(msg, dst, num_segments=N)
    deg = jax.ops.segment_sum(jnp.ones((edge_index.shape[1], 1), dtype=x.dtype), dst, num_segments=N)
    mean_neigh = agg / jnp.clip(deg, 1.0)
    out = x @ W_self + mean_neigh @ W_neigh + b
    return jax.nn.relu(out)


def reference(x, edge_index, W_self1, W_neigh1, b1, W_self2, W_neigh2, b2, W_cls, b_cls):
    h = _sage_conv(x, edge_index, W_self1, W_neigh1, b1)
    h = _sage_conv(h, edge_index, W_self2, W_neigh2, b2)
    # readout == 'mean' -> AvgPooling over all nodes (single graph in batch)
    hg = jnp.mean(h, axis=0, keepdims=True)
    return hg @ W_cls + b_cls

if __name__ == "__main__":
    import jax
    _d = setup_inputs()
    print(jax.jit(kernel)(*tuple(_d.values())))

</pallas_src>

<mosaic_0001>
#map = affine_map<(d0, d1) -> (0, 0)>
#map1 = affine_map<(d0, d1) -> (0, 0, 0)>
module attributes {stable_mosaic.version = 14 : i64} {
  func.func @_sc_agg_body(%arg0: i32, %arg1: i32, %arg2: memref<10000x128xf32, #tpu.memory_space<hbm>>, %arg3: memref<32x80x125xi32, #tpu.memory_space<hbm>>, %arg4: memref<32x80x125xi32, #tpu.memory_space<hbm>>, %arg5: memref<632x128xf32, #tpu.memory_space<hbm>>, %arg6: memref<2x10112x128xf32, #tpu.memory_space<hbm>>, %arg7: memref<40x125xi32, #tpu.memory_space<vmem>>, %arg8: memref<40x125xi32, #tpu.memory_space<vmem>>, %arg9: memref<125x128xf32, #tpu.memory_space<vmem>>, %arg10: memref<125x128xf32, #tpu.memory_space<vmem>>, %arg11: memref<10112x128xf32, #tpu.memory_space<vmem_shared>>, %arg12: memref<!tpu.dma_semaphore, #tpu.memory_space<semaphore_mem>>, %arg13: memref<!tpu.dma_semaphore, #tpu.memory_space<semaphore_mem>>) attributes {dimension_semantics = [#tpu.dimension_semantics<core_parallel>, #tpu.dimension_semantics<subcore_parallel>], iteration_bounds = array<i64: 2, 16>, scalar_prefetch = 0 : i64, scratch_operands = 7 : i64, tpu.core_type = #tpu.core_type<sc_vector_subcore>, window_params = [{transform_indices = #map}, {transform_indices = #map1}, {transform_indices = #map1}, {transform_indices = #map}, {transform_indices = #map1}]} {
    %mul3A = arith.constant 16 : i32
    %mul3A_0 = arith.muli %arg0, %mul3A : i32
    %add3A = arith.addi %mul3A_0, %arg1 : i32
    %mul3A_1 = arith.constant 632 : i32
    %mul3A_2 = arith.muli %arg1, %mul3A_1 : i32
    "tpu.region"() ({
      %run_scoped3A = tpu.sem_alloc : memref<!tpu.dma_semaphore, #tpu.memory_space<semaphore_mem>>
      %dma_start3A_28 = arith.constant 0 : i32
      %dma_start3A_29 = tpu.memref_slice %arg11[%mul3A_2, %dma_start3A_28] : memref<10112x128xf32, #tpu.memory_space<vmem_shared>> -> memref<632x128xf32, #tpu.memory_space<vmem_shared>>
      tpu.enqueue_dma source(%arg5 : memref<632x128xf32, #tpu.memory_space<hbm>>) target(%dma_start3A_29 : memref<632x128xf32, #tpu.memory_space<vmem_shared>>) target_semaphore(%run_scoped3A : memref<!tpu.dma_semaphore, #tpu.memory_space<semaphore_mem>>)
      %dma_wait3A = arith.constant 0 : i32
      %dma_wait3A_30 = tpu.memref_slice %arg11[%mul3A_2, %dma_wait3A] : memref<10112x128xf32, #tpu.memory_space<vmem_shared>> -> memref<632x128xf32, #tpu.memory_space<vmem_shared>>
      tpu.wait_dma2 semaphore(%run_scoped3A : memref<!tpu.dma_semaphore, #tpu.memory_space<semaphore_mem>>) src(%arg5 : memref<632x128xf32, #tpu.memory_space<hbm>>) dst(%dma_wait3A_30 : memref<632x128xf32, #tpu.memory_space<vmem_shared>>)
      tpu.yield
    }) : () -> ()
    %barrier3A = arith.constant 0 : index
    tpu.barrier barrier_id(%barrier3A)
    "tpu.region"() ({
      %run_scoped3A = tpu.sem_alloc : memref<!tpu.dma_semaphore, #tpu.memory_space<semaphore_mem>>
      %dma_start3A_28 = arith.constant 0 : i32
      %dma_start3A_29 = arith.constant 0 : i32
      %dma_start3A_30 = tpu.memref_slice %arg3[%add3A, %dma_start3A_28, %dma_start3A_29] : memref<32x80x125xi32, #tpu.memory_space<hbm>> -> memref<1x80x125xi32, #tpu.memory_space<hbm>>
      %dma_start3A_31 = tpu.memref_squeeze %dma_start3A_30 : memref<1x80x125xi32, #tpu.memory_space<hbm>> -> memref<80x125xi32, #tpu.memory_space<hbm>>
      %dma_start3A_32 = arith.constant 0 : i32
      %dma_start3A_33 = arith.constant 0 : i32
      %dma_start3A_34 = tpu.memref_slice %dma_start3A_31[%dma_start3A_32, %dma_start3A_33] : memref<80x125xi32, #tpu.memory_space<hbm>> -> memref<40x125xi32, #tpu.memory_space<hbm>>
      %dma_start3A_35 = arith.constant 0 : i32
      %dma_start3A_36 = arith.constant 0 : i32
      %dma_start3A_37 = tpu.memref_slice %arg3[%add3A, %dma_start3A_35, %dma_start3A_36] : memref<32x80x125xi32, #tpu.memory_space<hbm>> -> memref<1x80x125xi32, #tpu.memory_space<hbm>>
      %dma_start3A_38 = tpu.memref_squeeze %dma_start3A_37 : memref<1x80x125xi32, #tpu.memory_space<hbm>> -> memref<80x125xi32, #tpu.memory_space<hbm>>
      %dma_start3A_39 = arith.constant 0 : i32
      %dma_start3A_40 = arith.constant 0 : i32
      %dma_start3A_41 = tpu.memref_slice %dma_start3A_38[%dma_start3A_39, %dma_start3A_40] : memref<80x125xi32, #tpu.memory_space<hbm>> -> memref<40x125xi32, #tpu.memory_space<hbm>>
      tpu.enqueue_dma source(%dma_start3A_41 : memref<40x125xi32, #tpu.memory_space<hbm>>) target(%arg7 : memref<40x125xi32, #tpu.memory_space<vmem>>) target_semaphore(%run_scoped3A : memref<!tpu.dma_semaphore, #tpu.memory_space<semaphore_mem>>)
      %dma_wait3A = arith.constant 0 : i32
      %dma_wait3A_42 = arith.constant 0 : i32
      %dma_wait3A_43 = tpu.memref_slice %arg3[%add3A, %dma_wait3A, %dma_wait3A_42] : memref<32x80x125xi32, #tpu.memory_space<hbm>> -> memref<1x80x125xi32, #tpu.memory_space<hbm>>
      %dma_wait3A_44 = tpu.memref_squeeze %dma_wait3A_43 : memref<1x80x125xi32, #tpu.memory_space<hbm>> -> memref<80x125xi32, #tpu.memory_space<hbm>>
      %dma_wait3A_45 = arith.constant 0 : i32
      %dma_wait3A_46 = arith.constant 0 : i32
      %dma_wait3A_47 = tpu.memref_slice %dma_wait3A_44[%dma_wait3A_45, %dma_wait3A_46] : memref<80x125xi32, #tpu.memory_space<hbm>> -> memref<40x125xi32, #tpu.memory_space<hbm>>
      %dma_wait3A_48 = arith.constant 0 : i32
      %dma_wait3A_49 = arith.constant 0 : i32
      %dma_wait3A_50 = tpu.memref_slice %arg3[%add3A, %dma_wait3A_48, %dma_wait3A_49] : memref<32x80x125xi32, #tpu.memory_space<hbm>> -> memref<1x80x125xi32, #tpu.memory_space<hbm>>
      %dma_wait3A_51 = tpu.memref_squeeze %dma_wait3A_50 : memref<1x80x125xi32, #tpu.memory_space<hbm>> -> memref<80x125xi32, #tpu.memory_space<hbm>>
      %dma_wait3A_52 = arith.constant 0 : i32
      %dma_wait3A_53 = arith.constant 0 : i32
      %dma_wait3A_54 = tpu.memref_slice %dma_wait3A_51[%dma_wait3A_52, %dma_wait3A_53] : memref<80x125xi32, #tpu.memory_space<hbm>> -> memref<40x125xi32, #tpu.memory_space<hbm>>
      tpu.wait_dma2 semaphore(%run_scoped3A : memref<!tpu.dma_semaphore, #tpu.memory_space<semaphore_mem>>) src(%dma_wait3A_54 : memref<40x125xi32, #tpu.memory_space<hbm>>) dst(%arg7 : memref<40x125xi32, #tpu.memory_space<vmem>>)
      tpu.yield
    }) : () -> ()
    "tpu.region"() ({
      %run_scoped3A = tpu.sem_alloc : memref<!tpu.dma_semaphore, #tpu.memory_space<semaphore_mem>>
      %dma_start3A_28 = arith.constant 0 : i32
      %dma_start3A_29 = arith.constant 0 : i32
      %dma_start3A_30 = tpu.memref_slice %arg4[%add3A, %dma_start3A_28, %dma_start3A_29] : memref<32x80x125xi32, #tpu.memory_space<hbm>> -> memref<1x80x125xi32, #tpu.memory_space<hbm>>
      %dma_start3A_31 = tpu.memref_squeeze %dma_start3A_30 : memref<1x80x125xi32, #tpu.memory_space<hbm>> -> memref<80x125xi32, #tpu.memory_space<hbm>>
      %dma_start3A_32 = arith.constant 0 : i32
      %dma_start3A_33 = arith.constant 0 : i32
      %dma_start3A_34 = tpu.memref_slice %dma_start3A_31[%dma_start3A_32, %dma_start3A_33] : memref<80x125xi32, #tpu.memory_space<hbm>> -> memref<40x125xi32, #tpu.memory_space<hbm>>
      %dma_start3A_35 = arith.constant 0 : i32
      %dma_start3A_36 = arith.constant 0 : i32
      %dma_start3A_37 = tpu.memref_slice %arg4[%add3A, %dma_start3A_35, %dma_start3A_36] : memref<32x80x125xi32, #tpu.memory_space<hbm>> -> memref<1x80x125xi32, #tpu.memory_space<hbm>>
      %dma_start3A_38 = tpu.memref_squeeze %dma_start3A_37 : memref<1x80x125xi32, #tpu.memory_space<hbm>> -> memref<80x125xi32, #tpu.memory_space<hbm>>
      %dma_start3A_39 = arith.constant 0 : i32
      %dma_start3A_40 = arith.constant 0 : i32
      %dma_start3A_41 = tpu.memref_slice %dma_start3A_38[%dma_start3A_39, %dma_start3A_40] : memref<80x125xi32, #tpu.memory_space<hbm>> -> memref<40x125xi32, #tpu.memory_space<hbm>>
      tpu.enqueue_dma source(%dma_start3A_41 : memref<40x125xi32, #tpu.memory_space<hbm>>) target(%arg8 : memref<40x125xi32, #tpu.memory_space<vmem>>) target_semaphore(%run_scoped3A : memref<!tpu.dma_semaphore, #tpu.memory_space<semaphore_mem>>)
      %dma_wait3A = arith.constant 0 : i32
      %dma_wait3A_42 = arith.constant 0 : i32
      %dma_wait3A_43 = tpu.memref_slice %arg4[%add3A, %dma_wait3A, %dma_wait3A_42] : memref<32x80x125xi32, #tpu.memory_space<hbm>> -> memref<1x80x125xi32, #tpu.memory_space<hbm>>
      %dma_wait3A_44 = tpu.memref_squeeze %dma_wait3A_43 : memref<1x80x125xi32, #tpu.memory_space<hbm>> -> memref<80x125xi32, #tpu.memory_space<hbm>>
      %dma_wait3A_45 = arith.constant 0 : i32
      %dma_wait3A_46 = arith.constant 0 : i32
      %dma_wait3A_47 = tpu.memref_slice %dma_wait3A_44[%dma_wait3A_45, %dma_wait3A_46] : memref<80x125xi32, #tpu.memory_space<hbm>> -> memref<40x125xi32, #tpu.memory_space<hbm>>
      %dma_wait3A_48 = arith.constant 0 : i32
      %dma_wait3A_49 = arith.constant 0 : i32
      %dma_wait3A_50 = tpu.memref_slice %arg4[%add3A, %dma_wait3A_48, %dma_wait3A_49] : memref<32x80x125xi32, #tpu.memory_space<hbm>> -> memref<1x80x125xi32, #tpu.memory_space<hbm>>
      %dma_wait3A_51 = tpu.memref_squeeze %dma_wait3A_50 : memref<1x80x125xi32, #tpu.memory_space<hbm>> -> memref<80x125xi32, #tpu.memory_space<hbm>>
      %dma_wait3A_52 = arith.constant 0 : i32
      %dma_wait3A_53 = arith.constant 0 : i32
      %dma_wait3A_54 = tpu.memref_slice %dma_wait3A_51[%dma_wait3A_52, %dma_wait3A_53] : memref<80x125xi32, #tpu.memory_space<hbm>> -> memref<40x125xi32, #tpu.memory_space<hbm>>
      tpu.wait_dma2 semaphore(%run_scoped3A : memref<!tpu.dma_semaphore, #tpu.memory_space<semaphore_mem>>) src(%dma_wait3A_54 : memref<40x125xi32, #tpu.memory_space<hbm>>) dst(%arg8 : memref<40x125xi32, #tpu.memory_space<vmem>>)
      tpu.yield
    }) : () -> ()
    %dma_start3A = arith.constant 0 : i32
    %dma_start3A_3 = arith.constant 0 : i32
    %dma_start3A_4 = tpu.memref_slice %arg7[%dma_start3A, %dma_start3A_3] : memref<40x125xi32, #tpu.memory_space<vmem>> -> memref<1x125xi32, #tpu.memory_space<vmem>>
    %dma_start3A_5 = tpu.memref_squeeze %dma_start3A_4 : memref<1x125xi32, #tpu.memory_space<vmem>> -> memref<125xi32, #tpu.memory_space<vmem>>
    %dma_start3A_6 = arith.constant 0 : i32
    %dma_start3A_7 = arith.constant 0 : i32
    %dma_start3A_8 = tpu.memref_slice %arg2[%dma_start3A_6, %dma_start3A_7] : memref<10000x128xf32, #tpu.memory_space<hbm>> -> memref<10000x128xf32, #tpu.memory_space<hbm>>
    tpu.enqueue_indirect_dma source(%dma_start3A_8 : memref<10000x128xf32, #tpu.memory_space<hbm>>) target(%arg9 : memref<125x128xf32, #tpu.memory_space<vmem>>) offsets(%dma_start3A_5 : memref<125xi32, #tpu.memory_space<vmem>>) semaphore(%arg12 : memref<!tpu.dma_semaphore, #tpu.memory_space<semaphore_mem>>)
    %scan3A = arith.constant 0 : i32
    %scan3A_9 = arith.constant 0 : i32
    %scan3A_10 = arith.constant 20 : i32
    %scan3A_11 = arith.addi %scan3A_9, %scan3A_10 : i32
    %scan3A_12 = arith.constant 1 : i32
    scf.for %scan3A_28 = %scan3A_9 to %scan3A_11 step %scan3A_12  : i32 {
      %mul3A_29 = arith.constant 2 : i32
      %mul3A_30 = arith.muli %mul3A_29, %scan3A_28 : i32
      %add3A_31 = arith.constant 1 : i32
      %add3A_32 = arith.addi %mul3A_30, %add3A_31 : i32
      %add3A_33 = arith.constant 2 : i32
      %add3A_34 = arith.addi %mul3A_30, %add3A_33 : i32
      %dma_wait3A = arith.constant 0 : i32
      %dma_wait3A_35 = tpu.memref_slice %arg7[%mul3A_30, %dma_wait3A] : memref<40x125xi32, #tpu.memory_space<vmem>> -> memref<1x125xi32, #tpu.memory_space<vmem>>
      %dma_wait3A_36 = tpu.memref_squeeze %dma_wait3A_35 : memref<1x125xi32, #tpu.memory_space<vmem>> -> memref<125xi32, #tpu.memory_space<vmem>>
      %dma_wait3A_37 = arith.constant 0 : i32
      %dma_wait3A_38 = arith.constant 0 : i32
      %dma_wait3A_39 = tpu.memref_slice %arg2[%dma_wait3A_37, %dma_wait3A_38] : memref<10000x128xf32, #tpu.memory_space<hbm>> -> memref<10000x128xf32, #tpu.memory_space<hbm>>
      tpu.wait_indirect_dma semaphore(%arg12 : memref<!tpu.dma_semaphore, #tpu.memory_space<semaphore_mem>>) src(%dma_wait3A_39 : memref<10000x128xf32, #tpu.memory_space<hbm>>) dst(%arg9 : memref<125x128xf32, #tpu.memory_space<vmem>>)
      %dma_start3A_40 = arith.constant 0 : i32
      %dma_start3A_41 = tpu.memref_slice %arg7[%add3A_32, %dma_start3A_40] : memref<40x125xi32, #tpu.memory_space<vmem>> -> memref<1x125xi32, #tpu.memory_space<vmem>>
      %dma_start3A_42 = tpu.memref_squeeze %dma_start3A_41 : memref<1x125xi32, #tpu.memory_space<vmem>> -> memref<125xi32, #tpu.memory_space<vmem>>
      %dma_start3A_43 = arith.constant 0 : i32
      %dma_start3A_44 = arith.constant 0 : i32
      %dma_start3A_45 = tpu.memref_slice %arg2[%dma_start3A_43, %dma_start3A_44] : memref<10000x128xf32, #tpu.memory_space<hbm>> -> memref<10000x128xf32, #tpu.memory_space<hbm>>
      tpu.enqueue_indirect_dma source(%dma_start3A_45 : memref<10000x128xf32, #tpu.memory_space<hbm>>) target(%arg10 : memref<125x128xf32, #tpu.memory_space<vmem>>) offsets(%dma_start3A_42 : memref<125xi32, #tpu.memory_space<vmem>>) semaphore(%arg13 : memref<!tpu.dma_semaphore, #tpu.memory_space<semaphore_mem>>)
      "tpu.region"() ({
        %run_scoped3A = tpu.sem_alloc : memref<!tpu.dma_semaphore, #tpu.memory_space<semaphore_mem>>
        %dma_start3A_54 = arith.constant 0 : i32
        %dma_start3A_55 = tpu.memref_slice %arg8[%mul3A_30, %dma_start3A_54] : memref<40x125xi32, #tpu.memory_space<vmem>> -> memref<1x125xi32, #tpu.memory_space<vmem>>
        %dma_start3A_56 = tpu.memref_squeeze %dma_start3A_55 : memref<1x125xi32, #tpu.memory_space<vmem>> -> memref<125xi32, #tpu.memory_space<vmem>>
        %dma_start3A_57 = arith.constant 0 : i32
        %dma_start3A_58 = arith.constant 0 : i32
        %dma_start3A_59 = tpu.memref_slice %arg11[%dma_start3A_57, %dma_start3A_58] : memref<10112x128xf32, #tpu.memory_space<vmem_shared>> -> memref<10112x128xf32, #tpu.memory_space<vmem_shared>>
        tpu.enqueue_indirect_dma source(%arg9 : memref<125x128xf32, #tpu.memory_space<vmem>>) target(%dma_start3A_59 : memref<10112x128xf32, #tpu.memory_space<vmem_shared>>) offsets(%dma_start3A_56 : memref<125xi32, #tpu.memory_space<vmem>>) semaphore(%run_scoped3A : memref<!tpu.dma_semaphore, #tpu.memory_space<semaphore_mem>>) {add = true}
        %dma_wait3A_60 = arith.constant 0 : i32
        %dma_wait3A_61 = tpu.memref_slice %arg8[%mul3A_30, %dma_wait3A_60] : memref<40x125xi32, #tpu.memory_space<vmem>> -> memref<1x125xi32, #tpu.memory_space<vmem>>
        %dma_wait3A_62 = tpu.memref_squeeze %dma_wait3A_61 : memref<1x125xi32, #tpu.memory_space<vmem>> -> memref<125xi32, #tpu.memory_space<vmem>>
        %dma_wait3A_63 = arith.constant 0 : i32
        %dma_wait3A_64 = arith.constant 0 : i32
        %dma_wait3A_65 = tpu.memref_slice %arg11[%dma_wait3A_63, %dma_wait3A_64] : memref<10112x128xf32, #tpu.memory_space<vmem_shared>> -> memref<10112x128xf32, #tpu.memory_space<vmem_shared>>
        tpu.wait_indirect_dma semaphore(%run_scoped3A : memref<!tpu.dma_semaphore, #tpu.memory_space<semaphore_mem>>) src(%arg9 : memref<125x128xf32, #tpu.memory_space<vmem>>) dst(%dma_wait3A_65 : memref<10112x128xf32, #tpu.memory_space<vmem_shared>>)
        tpu.yield
      }) : () -> ()
      %dma_wait3A_46 = arith.constant 0 : i32
      %dma_wait3A_47 = tpu.memref_slice %arg7[%add3A_32, %dma_wait3A_46] : memref<40x125xi32, #tpu.memory_space<vmem>> -> memref<1x125xi32, #tpu.memory_space<vmem>>
      %dma_wait3A_48 = tpu.memref_squeeze %dma_wait3A_47 : memref<1x125xi32, #tpu.memory_space<vmem>> -> memref<125xi32, #tpu.memory_space<vmem>>
      %dma_wait3A_49 = arith.constant 0 : i32
      %dma_wait3A_50 = arith.constant 0 : i32
      %dma_wait3A_51 = tpu.memref_slice %arg2[%dma_wait3A_49, %dma_wait3A_50] : memref<10000x128xf32, #tpu.memory_space<hbm>> -> memref<10000x128xf32, #tpu.memory_space<hbm>>
      tpu.wait_indirect_dma semaphore(%arg13 : memref<!tpu.dma_semaphore, #tpu.memory_space<semaphore_mem>>) src(%dma_wait3A_51 : memref<10000x128xf32, #tpu.memory_space<hbm>>) dst(%arg10 : memref<125x128xf32, #tpu.memory_space<vmem>>)
      %lt3A = arith.constant 40 : i32
      %lt3A_52 = arith.cmpi slt, %add3A_34, %lt3A : i32
      %convert_element_type3A = arith.extui %lt3A_52 : i1 to i32
      %cond3A = arith.constant 0 : i32
      %cond3A_53 = arith.cmpi ne, %convert_element_type3A, %cond3A : i32
      scf.if %cond3A_53 {
        %dma_start3A_54 = arith.constant 0 : i32
        %dma_start3A_55 = tpu.memref_slice %arg7[%add3A_34, %dma_start3A_54] : memref<40x125xi32, #tpu.memory_space<vmem>> -> memref<1x125xi32, #tpu.memory_space<vmem>>
        %dma_start3A_56 = tpu.memref_squeeze %dma_start3A_55 : memref<1x125xi32, #tpu.memory_space<vmem>> -> memref<125xi32, #tpu.memory_space<vmem>>
        %dma_start3A_57 = arith.constant 0 : i32
        %dma_start3A_58 = arith.constant 0 : i32
        %dma_start3A_59 = tpu.memref_slice %arg2[%dma_start3A_57, %dma_start3A_58] : memref<10000x128xf32, #tpu.memory_space<hbm>> -> memref<10000x128xf32, #tpu.memory_space<hbm>>
        tpu.enqueue_indirect_dma source(%dma_start3A_59 : memref<10000x128xf32, #tpu.memory_space<hbm>>) target(%arg9 : memref<125x128xf32, #tpu.memory_space<vmem>>) offsets(%dma_start3A_56 : memref<125xi32, #tpu.memory_space<vmem>>) semaphore(%arg12 : memref<!tpu.dma_semaphore, #tpu.memory_space<semaphore_mem>>)
      } else {
      }
      "tpu.region"() ({
        %run_scoped3A = tpu.sem_alloc : memref<!tpu.dma_semaphore, #tpu.memory_space<semaphore_mem>>
        %dma_start3A_54 = arith.constant 0 : i32
        %dma_start3A_55 = tpu.memref_slice %arg8[%add3A_32, %dma_start3A_54] : memref<40x125xi32, #tpu.memory_space<vmem>> -> memref<1x125xi32, #tpu.memory_space<vmem>>
        %dma_start3A_56 = tpu.memref_squeeze %dma_start3A_55 : memref<1x125xi32, #tpu.memory_space<vmem>> -> memref<125xi32, #tpu.memory_space<vmem>>
        %dma_start3A_57 = arith.constant 0 : i32
        %dma_start3A_58 = arith.constant 0 : i32
        %dma_start3A_59 = tpu.memref_slice %arg11[%dma_start3A_57, %dma_start3A_58] : memref<10112x128xf32, #tpu.memory_space<vmem_shared>> -> memref<10112x128xf32, #tpu.memory_space<vmem_shared>>
        tpu.enqueue_indirect_dma source(%arg10 : memref<125x128xf32, #tpu.memory_space<vmem>>) target(%dma_start3A_59 : memref<10112x128xf32, #tpu.memory_space<vmem_shared>>) offsets(%dma_start3A_56 : memref<125xi32, #tpu.memory_space<vmem>>) semaphore(%run_scoped3A : memref<!tpu.dma_semaphore, #tpu.memory_space<semaphore_mem>>) {add = true}
        %dma_wait3A_60 = arith.constant 0 : i32
        %dma_wait3A_61 = tpu.memref_slice %arg8[%add3A_32, %dma_wait3A_60] : memref<40x125xi32, #tpu.memory_space<vmem>> -> memref<1x125xi32, #tpu.memory_space<vmem>>
        %dma_wait3A_62 = tpu.memref_squeeze %dma_wait3A_61 : memref<1x125xi32, #tpu.memory_space<vmem>> -> memref<125xi32, #tpu.memory_space<vmem>>
        %dma_wait3A_63 = arith.constant 0 : i32
        %dma_wait3A_64 = arith.constant 0 : i32
        %dma_wait3A_65 = tpu.memref_slice %arg11[%dma_wait3A_63, %dma_wait3A_64] : memref<10112x128xf32, #tpu.memory_space<vmem_shared>> -> memref<10112x128xf32, #tpu.memory_space<vmem_shared>>
        tpu.wait_indirect_dma semaphore(%run_scoped3A : memref<!tpu.dma_semaphore, #tpu.memory_space<semaphore_mem>>) src(%arg10 : memref<125x128xf32, #tpu.memory_space<vmem>>) dst(%dma_wait3A_65 : memref<10112x128xf32, #tpu.memory_space<vmem_shared>>)
        tpu.yield
      }) : () -> ()
    }
    %scan3A_13 = arith.constant 20 : i32
    "tpu.region"() ({
      %run_scoped3A = tpu.sem_alloc : memref<!tpu.dma_semaphore, #tpu.memory_space<semaphore_mem>>
      %dma_start3A_28 = arith.constant 0 : i32
      %dma_start3A_29 = arith.constant 0 : i32
      %dma_start3A_30 = tpu.memref_slice %arg3[%add3A, %dma_start3A_28, %dma_start3A_29] : memref<32x80x125xi32, #tpu.memory_space<hbm>> -> memref<1x80x125xi32, #tpu.memory_space<hbm>>
      %dma_start3A_31 = tpu.memref_squeeze %dma_start3A_30 : memref<1x80x125xi32, #tpu.memory_space<hbm>> -> memref<80x125xi32, #tpu.memory_space<hbm>>
      %dma_start3A_32 = arith.constant 40 : i32
      %dma_start3A_33 = arith.constant 0 : i32
      %dma_start3A_34 = tpu.memref_slice %dma_start3A_31[%dma_start3A_32, %dma_start3A_33] : memref<80x125xi32, #tpu.memory_space<hbm>> -> memref<40x125xi32, #tpu.memory_space<hbm>>
      %dma_start3A_35 = arith.constant 0 : i32
      %dma_start3A_36 = arith.constant 0 : i32
      %dma_start3A_37 = tpu.memref_slice %arg3[%add3A, %dma_start3A_35, %dma_start3A_36] : memref<32x80x125xi32, #tpu.memory_space<hbm>> -> memref<1x80x125xi32, #tpu.memory_space<hbm>>
      %dma_start3A_38 = tpu.memref_squeeze %dma_start3A_37 : memref<1x80x125xi32, #tpu.memory_space<hbm>> -> memref<80x125xi32, #tpu.memory_space<hbm>>
      %dma_start3A_39 = arith.constant 40 : i32
      %dma_start3A_40 = arith.constant 0 : i32
      %dma_start3A_41 = tpu.memref_slice %dma_start3A_38[%dma_start3A_39, %dma_start3A_40] : memref<80x125xi32, #tpu.memory_space<hbm>> -> memref<40x125xi32, #tpu.memory_space<hbm>>
      tpu.enqueue_dma source(%dma_start3A_41 : memref<40x125xi32, #tpu.memory_space<hbm>>) target(%arg7 : memref<40x125xi32, #tpu.memory_space<vmem>>) target_semaphore(%run_scoped3A : memref<!tpu.dma_semaphore, #tpu.memory_space<semaphore_mem>>)
      %dma_wait3A = arith.constant 0 : i32
      %dma_wait3A_42 = arith.constant 0 : i32
      %dma_wait3A_43 = tpu.memref_slice %arg3[%add3A, %dma_wait3A, %dma_wait3A_42] : memref<32x80x125xi32, #tpu.memory_space<hbm>> -> memref<1x80x125xi32, #tpu.memory_space<hbm>>
      %dma_wait3A_44 = tpu.memref_squeeze %dma_wait3A_43 : memref<1x80x125xi32, #tpu.memory_space<hbm>> -> memref<80x125xi32, #tpu.memory_space<hbm>>
      %dma_wait3A_45 = arith.constant 40 : i32
      %dma_wait3A_46 = arith.constant 0 : i32
      %dma_wait3A_47 = tpu.memref_slice %dma_wait3A_44[%dma_wait3A_45, %dma_wait3A_46] : memref<80x125xi32, #tpu.memory_space<hbm>> -> memref<40x125xi32, #tpu.memory_space<hbm>>
      %dma_wait3A_48 = arith.constant 0 : i32
      %dma_wait3A_49 = arith.constant 0 : i32
      %dma_wait3A_50 = tpu.memref_slice %arg3[%add3A, %dma_wait3A_48, %dma_wait3A_49] : memref<32x80x125xi32, #tpu.memory_space<hbm>> -> memref<1x80x125xi32, #tpu.memory_space<hbm>>
      %dma_wait3A_51 = tpu.memref_squeeze %dma_wait3A_50 : memref<1x80x125xi32, #tpu.memory_space<hbm>> -> memref<80x125xi32, #tpu.memory_space<hbm>>
      %dma_wait3A_52 = arith.constant 40 : i32
      %dma_wait3A_53 = arith.constant 0 : i32
      %dma_wait3A_54 = tpu.memref_slice %dma_wait3A_51[%dma_wait3A_52, %dma_wait3A_53] : memref<80x125xi32, #tpu.memory_space<hbm>> -> memref<40x125xi32, #tpu.memory_space<hbm>>
      tpu.wait_dma2 semaphore(%run_scoped3A : memref<!tpu.dma_semaphore, #tpu.memory_space<semaphore_mem>>) src(%dma_wait3A_54 : memref<40x125xi32, #tpu.memory_space<hbm>>) dst(%arg7 : memref<40x125xi32, #tpu.memory_space<vmem>>)
      tpu.yield
    }) : () -> ()
    "tpu.region"() ({
      %run_scoped3A = tpu.sem_alloc : memref<!tpu.dma_semaphore, #tpu.memory_space<semaphore_mem>>
      %dma_start3A_28 = arith.constant 0 : i32
      %dma_start3A_29 = arith.constant 0 : i32
      %dma_start3A_30 = tpu.memref_slice %arg4[%add3A, %dma_start3A_28, %dma_start3A_29] : memref<32x80x125xi32, #tpu.memory_space<hbm>> -> memref<1x80x125xi32, #tpu.memory_space<hbm>>
      %dma_start3A_31 = tpu.memref_squeeze %dma_start3A_30 : memref<1x80x125xi32, #tpu.memory_space<hbm>> -> memref<80x125xi32, #tpu.memory_space<hbm>>
      %dma_start3A_32 = arith.constant 40 : i32
      %dma_start3A_33 = arith.constant 0 : i32
      %dma_start3A_34 = tpu.memref_slice %dma_start3A_31[%dma_start3A_32, %dma_start3A_33] : memref<80x125xi32, #tpu.memory_space<hbm>> -> memref<40x125xi32, #tpu.memory_space<hbm>>
      %dma_start3A_35 = arith.constant 0 : i32
      %dma_start3A_36 = arith.constant 0 : i32
      %dma_start3A_37 = tpu.memref_slice %arg4[%add3A, %dma_start3A_35, %dma_start3A_36] : memref<32x80x125xi32, #tpu.memory_space<hbm>> -> memref<1x80x125xi32, #tpu.memory_space<hbm>>
      %dma_start3A_38 = tpu.memref_squeeze %dma_start3A_37 : memref<1x80x125xi32, #tpu.memory_space<hbm>> -> memref<80x125xi32, #tpu.memory_space<hbm>>
      %dma_start3A_39 = arith.constant 40 : i32
      %dma_start3A_40 = arith.constant 0 : i32
      %dma_start3A_41 = tpu.memref_slice %dma_start3A_38[%dma_start3A_39, %dma_start3A_40] : memref<80x125xi32, #tpu.memory_space<hbm>> -> memref<40x125xi32, #tpu.memory_space<hbm>>
      tpu.enqueue_dma source(%dma_start3A_41 : memref<40x125xi32, #tpu.memory_space<hbm>>) target(%arg8 : memref<40x125xi32, #tpu.memory_space<vmem>>) target_semaphore(%run_scoped3A : memref<!tpu.dma_semaphore, #tpu.memory_space<semaphore_mem>>)
      %dma_wait3A = arith.constant 0 : i32
      %dma_wait3A_42 = arith.constant 0 : i32
      %dma_wait3A_43 = tpu.memref_slice %arg4[%add3A, %dma_wait3A, %dma_wait3A_42] : memref<32x80x125xi32, #tpu.memory_space<hbm>> -> memref<1x80x125xi32, #tpu.memory_space<hbm>>
      %dma_wait3A_44 = tpu.memref_squeeze %dma_wait3A_43 : memref<1x80x125xi32, #tpu.memory_space<hbm>> -> memref<80x125xi32, #tpu.memory_space<hbm>>
      %dma_wait3A_45 = arith.constant 40 : i32
      %dma_wait3A_46 = arith.constant 0 : i32
      %dma_wait3A_47 = tpu.memref_slice %dma_wait3A_44[%dma_wait3A_45, %dma_wait3A_46] : memref<80x125xi32, #tpu.memory_space<hbm>> -> memref<40x125xi32, #tpu.memory_space<hbm>>
      %dma_wait3A_48 = arith.constant 0 : i32
      %dma_wait3A_49 = arith.constant 0 : i32
      %dma_wait3A_50 = tpu.memref_slice %arg4[%add3A, %dma_wait3A_48, %dma_wait3A_49] : memref<32x80x125xi32, #tpu.memory_space<hbm>> -> memref<1x80x125xi32, #tpu.memory_space<hbm>>
      %dma_wait3A_51 = tpu.memref_squeeze %dma_wait3A_50 : memref<1x80x125xi32, #tpu.memory_space<hbm>> -> memref<80x125xi32, #tpu.memory_space<hbm>>
      %dma_wait3A_52 = arith.constant 40 : i32
      %dma_wait3A_53 = arith.constant 0 : i32
      %dma_wait3A_54 = tpu.memref_slice %dma_wait3A_51[%dma_wait3A_52, %dma_wait3A_53] : memref<80x125xi32, #tpu.memory_space<hbm>> -> memref<40x125xi32, #tpu.memory_space<hbm>>
      tpu.wait_dma2 semaphore(%run_scoped3A : memref<!tpu.dma_semaphore, #tpu.memory_space<semaphore_mem>>) src(%dma_wait3A_54 : memref<40x125xi32, #tpu.memory_space<hbm>>) dst(%arg8 : memref<40x125xi32, #tpu.memory_space<vmem>>)
      tpu.yield
    }) : () -> ()
    %dma_start3A_14 = arith.constant 0 : i32
    %dma_start3A_15 = arith.constant 0 : i32
    %dma_start3A_16 = tpu.memref_slice %arg7[%dma_start3A_14, %dma_start3A_15] : memref<40x125xi32, #tpu.memory_space<vmem>> -> memref<1x125xi32, #tpu.memory_space<vmem>>
    %dma_start3A_17 = tpu.memref_squeeze %dma_start3A_16 : memref<1x125xi32, #tpu.memory_space<vmem>> -> memref<125xi32, #tpu.memory_space<vmem>>
    %dma_start3A_18 = arith.constant 0 : i32
    %dma_start3A_19 = arith.constant 0 : i32
    %dma_start3A_20 = tpu.memref_slice %arg2[%dma_start3A_18, %dma_start3A_19] : memref<10000x128xf32, #tpu.memory_space<hbm>> -> memref<10000x128xf32, #tpu.memory_space<hbm>>
    tpu.enqueue_indirect_dma source(%dma_start3A_20 : memref<10000x128xf32, #tpu.memory_space<hbm>>) target(%arg9 : memref<125x128xf32, #tpu.memory_space<vmem>>) offsets(%dma_start3A_17 : memref<125xi32, #tpu.memory_space<vmem>>) semaphore(%arg12 : memref<!tpu.dma_semaphore, #tpu.memory_space<semaphore_mem>>)
    %scan3A_21 = arith.constant 0 : i32
    %scan3A_22 = arith.constant 0 : i32
    %scan3A_23 = arith.constant 20 : i32
    %scan3A_24 = arith.addi %scan3A_22, %scan3A_23 : i32
    %scan3A_25 = arith.constant 1 : i32
    scf.for %scan3A_28 = %scan3A_22 to %scan3A_24 step %scan3A_25  : i32 {
      %mul3A_29 = arith.constant 2 : i32
      %mul3A_30 = arith.muli %mul3A_29, %scan3A_28 : i32
      %add3A_31 = arith.constant 1 : i32
      %add3A_32 = arith.addi %mul3A_30, %add3A_31 : i32
      %add3A_33 = arith.constant 2 : i32
      %add3A_34 = arith.addi %mul3A_30, %add3A_33 : i32
      %dma_wait3A = arith.constant 0 : i32
      %dma_wait3A_35 = tpu.memref_slice %arg7[%mul3A_30, %dma_wait3A] : memref<40x125xi32, #tpu.memory_space<vmem>> -> memref<1x125xi32, #tpu.memory_space<vmem>>
      %dma_wait3A_36 = tpu.memref_squeeze %dma_wait3A_35 : memref<1x125xi32, #tpu.memory_space<vmem>> -> memref<125xi32, #tpu.memory_space<vmem>>
      %dma_wait3A_37 = arith.constant 0 : i32
      %dma_wait3A_38 = arith.constant 0 : i32
      %dma_wait3A_39 = tpu.memref_slice %arg2[%dma_wait3A_37, %dma_wait3A_38] : memref<10000x128xf32, #tpu.memory_space<hbm>> -> memref<10000x128xf32, #tpu.memory_space<hbm>>
      tpu.wait_indirect_dma semaphore(%arg12 : memref<!tpu.dma_semaphore, #tpu.memory_space<semaphore_mem>>) src(%dma_wait3A_39 : memref<10000x128xf32, #tpu.memory_space<hbm>>) dst(%arg9 : memref<125x128xf32, #tpu.memory_space<vmem>>)
      %dma_start3A_40 = arith.constant 0 : i32
      %dma_start3A_41 = tpu.memref_slice %arg7[%add3A_32, %dma_start3A_40] : memref<40x125xi32, #tpu.memory_space<vmem>> -> memref<1x125xi32, #tpu.memory_space<vmem>>
      %dma_start3A_42 = tpu.memref_squeeze %dma_start3A_41 : memref<1x125xi32, #tpu.memory_space<vmem>> -> memref<125xi32, #tpu.memory_space<vmem>>
      %dma_start3A_43 = arith.constant 0 : i32
      %dma_start3A_44 = arith.constant 0 : i32
      %dma_start3A_45 = tpu.memref_slice %arg2[%dma_start3A_43, %dma_start3A_44] : memref<10000x128xf32, #tpu.memory_space<hbm>> -> memref<10000x128xf32, #tpu.memory_space<hbm>>
      tpu.enqueue_indirect_dma source(%dma_start3A_45 : memref<10000x128xf32, #tpu.memory_space<hbm>>) target(%arg10 : memref<125x128xf32, #tpu.memory_space<vmem>>) offsets(%dma_start3A_42 : memref<125xi32, #tpu.memory_space<vmem>>) semaphore(%arg13 : memref<!tpu.dma_semaphore, #tpu.memory_space<semaphore_mem>>)
      "tpu.region"() ({
        %run_scoped3A = tpu.sem_alloc : memref<!tpu.dma_semaphore, #tpu.memory_space<semaphore_mem>>
        %dma_start3A_54 = arith.constant 0 : i32
        %dma_start3A_55 = tpu.memref_slice %arg8[%mul3A_30, %dma_start3A_54] : memref<40x125xi32, #tpu.memory_space<vmem>> -> memref<1x125xi32, #tpu.memory_space<vmem>>
        %dma_start3A_56 = tpu.memref_squeeze %dma_start3A_55 : memref<1x125xi32, #tpu.memory_space<vmem>> -> memref<125xi32, #tpu.memory_space<vmem>>
        %dma_start3A_57 = arith.constant 0 : i32
        %dma_start3A_58 = arith.constant 0 : i32
        %dma_start3A_59 = tpu.memref_slice %arg11[%dma_start3A_57, %dma_start3A_58] : memref<10112x128xf32, #tpu.memory_space<vmem_shared>> -> memref<10112x128xf32, #tpu.memory_space<vmem_shared>>
        tpu.enqueue_indirect_dma source(%arg9 : memref<125x128xf32, #tpu.memory_space<vmem>>) target(%dma_start3A_59 : memref<10112x128xf32, #tpu.memory_space<vmem_shared>>) offsets(%dma_start3A_56 : memref<125xi32, #tpu.memory_space<vmem>>) semaphore(%run_scoped3A : memref<!tpu.dma_semaphore, #tpu.memory_space<semaphore_mem>>) {add = true}
        %dma_wait3A_60 = arith.constant 0 : i32
        %dma_wait3A_61 = tpu.memref_slice %arg8[%mul3A_30, %dma_wait3A_60] : memref<40x125xi32, #tpu.memory_space<vmem>> -> memref<1x125xi32, #tpu.memory_space<vmem>>
        %dma_wait3A_62 = tpu.memref_squeeze %dma_wait3A_61 : memref<1x125xi32, #tpu.memory_space<vmem>> -> memref<125xi32, #tpu.memory_space<vmem>>
        %dma_wait3A_63 = arith.constant 0 : i32
        %dma_wait3A_64 = arith.constant 0 : i32
        %dma_wait3A_65 = tpu.memref_slice %arg11[%dma_wait3A_63, %dma_wait3A_64] : memref<10112x128xf32, #tpu.memory_space<vmem_shared>> -> memref<10112x128xf32, #tpu.memory_space<vmem_shared>>
        tpu.wait_indirect_dma semaphore(%run_scoped3A : memref<!tpu.dma_semaphore, #tpu.memory_space<semaphore_mem>>) src(%arg9 : memref<125x128xf32, #tpu.memory_space<vmem>>) dst(%dma_wait3A_65 : memref<10112x128xf32, #tpu.memory_space<vmem_shared>>)
        tpu.yield
      }) : () -> ()
      %dma_wait3A_46 = arith.constant 0 : i32
      %dma_wait3A_47 = tpu.memref_slice %arg7[%add3A_32, %dma_wait3A_46] : memref<40x125xi32, #tpu.memory_space<vmem>> -> memref<1x125xi32, #tpu.memory_space<vmem>>
      %dma_wait3A_48 = tpu.memref_squeeze %dma_wait3A_47 : memref<1x125xi32, #tpu.memory_space<vmem>> -> memref<125xi32, #tpu.memory_space<vmem>>
      %dma_wait3A_49 = arith.constant 0 : i32
      %dma_wait3A_50 = arith.constant 0 : i32
      %dma_wait3A_51 = tpu.memref_slice %arg2[%dma_wait3A_49, %dma_wait3A_50] : memref<10000x128xf32, #tpu.memory_space<hbm>> -> memref<10000x128xf32, #tpu.memory_space<hbm>>
      tpu.wait_indirect_dma semaphore(%arg13 : memref<!tpu.dma_semaphore, #tpu.memory_space<semaphore_mem>>) src(%dma_wait3A_51 : memref<10000x128xf32, #tpu.memory_space<hbm>>) dst(%arg10 : memref<125x128xf32, #tpu.memory_space<vmem>>)
      %lt3A = arith.constant 40 : i32
      %lt3A_52 = arith.cmpi slt, %add3A_34, %lt3A : i32
      %convert_element_type3A = arith.extui %lt3A_52 : i1 to i32
      %cond3A = arith.constant 0 : i32
      %cond3A_53 = arith.cmpi ne, %convert_element_type3A, %cond3A : i32
      scf.if %cond3A_53 {
        %dma_start3A_54 = arith.constant 0 : i32
        %dma_start3A_55 = tpu.memref_slice %arg7[%add3A_34, %dma_start3A_54] : memref<40x125xi32, #tpu.memory_space<vmem>> -> memref<1x125xi32, #tpu.memory_space<vmem>>
        %dma_start3A_56 = tpu.memref_squeeze %dma_start3A_55 : memref<1x125xi32, #tpu.memory_space<vmem>> -> memref<125xi32, #tpu.memory_space<vmem>>
        %dma_start3A_57 = arith.constant 0 : i32
        %dma_start3A_58 = arith.constant 0 : i32
        %dma_start3A_59 = tpu.memref_slice %arg2[%dma_start3A_57, %dma_start3A_58] : memref<10000x128xf32, #tpu.memory_space<hbm>> -> memref<10000x128xf32, #tpu.memory_space<hbm>>
        tpu.enqueue_indirect_dma source(%dma_start3A_59 : memref<10000x128xf32, #tpu.memory_space<hbm>>) target(%arg9 : memref<125x128xf32, #tpu.memory_space<vmem>>) offsets(%dma_start3A_56 : memref<125xi32, #tpu.memory_space<vmem>>) semaphore(%arg12 : memref<!tpu.dma_semaphore, #tpu.memory_space<semaphore_mem>>)
      } else {
      }
      "tpu.region"() ({
        %run_scoped3A = tpu.sem_alloc : memref<!tpu.dma_semaphore, #tpu.memory_space<semaphore_mem>>
        %dma_start3A_54 = arith.constant 0 : i32
        %dma_start3A_55 = tpu.memref_slice %arg8[%add3A_32, %dma_start3A_54] : memref<40x125xi32, #tpu.memory_space<vmem>> -> memref<1x125xi32, #tpu.memory_space<vmem>>
        %dma_start3A_56 = tpu.memref_squeeze %dma_start3A_55 : memref<1x125xi32, #tpu.memory_space<vmem>> -> memref<125xi32, #tpu.memory_space<vmem>>
        %dma_start3A_57 = arith.constant 0 : i32
        %dma_start3A_58 = arith.constant 0 : i32
        %dma_start3A_59 = tpu.memref_slice %arg11[%dma_start3A_57, %dma_start3A_58] : memref<10112x128xf32, #tpu.memory_space<vmem_shared>> -> memref<10112x128xf32, #tpu.memory_space<vmem_shared>>
        tpu.enqueue_indirect_dma source(%arg10 : memref<125x128xf32, #tpu.memory_space<vmem>>) target(%dma_start3A_59 : memref<10112x128xf32, #tpu.memory_space<vmem_shared>>) offsets(%dma_start3A_56 : memref<125xi32, #tpu.memory_space<vmem>>) semaphore(%run_scoped3A : memref<!tpu.dma_semaphore, #tpu.memory_space<semaphore_mem>>) {add = true}
        %dma_wait3A_60 = arith.constant 0 : i32
        %dma_wait3A_61 = tpu.memref_slice %arg8[%add3A_32, %dma_wait3A_60] : memref<40x125xi32, #tpu.memory_space<vmem>> -> memref<1x125xi32, #tpu.memory_space<vmem>>
        %dma_wait3A_62 = tpu.memref_squeeze %dma_wait3A_61 : memref<1x125xi32, #tpu.memory_space<vmem>> -> memref<125xi32, #tpu.memory_space<vmem>>
        %dma_wait3A_63 = arith.constant 0 : i32
        %dma_wait3A_64 = arith.constant 0 : i32
        %dma_wait3A_65 = tpu.memref_slice %arg11[%dma_wait3A_63, %dma_wait3A_64] : memref<10112x128xf32, #tpu.memory_space<vmem_shared>> -> memref<10112x128xf32, #tpu.memory_space<vmem_shared>>
        tpu.wait_indirect_dma semaphore(%run_scoped3A : memref<!tpu.dma_semaphore, #tpu.memory_space<semaphore_mem>>) src(%arg10 : memref<125x128xf32, #tpu.memory_space<vmem>>) dst(%dma_wait3A_65 : memref<10112x128xf32, #tpu.memory_space<vmem_shared>>)
        tpu.yield
      }) : () -> ()
    }
    %scan3A_26 = arith.constant 20 : i32
    %barrier3A_27 = arith.constant 0 : index
    tpu.barrier barrier_id(%barrier3A_27)
    "tpu.region"() ({
      %run_scoped3A = tpu.sem_alloc : memref<!tpu.dma_semaphore, #tpu.memory_space<semaphore_mem>>
      %dma_start3A_28 = arith.constant 0 : i32
      %dma_start3A_29 = arith.constant 0 : i32
      %dma_start3A_30 = tpu.memref_slice %arg6[%arg0, %dma_start3A_28, %dma_start3A_29] : memref<2x10112x128xf32, #tpu.memory_space<hbm>> -> memref<1x10112x128xf32, #tpu.memory_space<hbm>>
      %dma_start3A_31 = tpu.memref_squeeze %dma_start3A_30 : memref<1x10112x128xf32, #tpu.memory_space<hbm>> -> memref<10112x128xf32, #tpu.memory_space<hbm>>
      %dma_start3A_32 = arith.constant 0 : i32
      %dma_start3A_33 = tpu.memref_slice %dma_start3A_31[%mul3A_2, %dma_start3A_32] : memref<10112x128xf32, #tpu.memory_space<hbm>> -> memref<632x128xf32, #tpu.memory_space<hbm>>
      %dma_start3A_34 = arith.constant 0 : i32
      %dma_start3A_35 = tpu.memref_slice %arg11[%mul3A_2, %dma_start3A_34] : memref<10112x128xf32, #tpu.memory_space<vmem_shared>> -> memref<632x128xf32, #tpu.memory_space<vmem_shared>>
      tpu.enqueue_dma source(%dma_start3A_35 : memref<632x128xf32, #tpu.memory_space<vmem_shared>>) target(%dma_start3A_33 : memref<632x128xf32, #tpu.memory_space<hbm>>) target_semaphore(%run_scoped3A : memref<!tpu.dma_semaphore, #tpu.memory_space<semaphore_mem>>)
      %dma_wait3A = arith.constant 0 : i32
      %dma_wait3A_36 = arith.constant 0 : i32
      %dma_wait3A_37 = tpu.memref_slice %arg6[%arg0, %dma_wait3A, %dma_wait3A_36] : memref<2x10112x128xf32, #tpu.memory_space<hbm>> -> memref<1x10112x128xf32, #tpu.memory_space<hbm>>
      %dma_wait3A_38 = tpu.memref_squeeze %dma_wait3A_37 : memref<1x10112x128xf32, #tpu.memory_space<hbm>> -> memref<10112x128xf32, #tpu.memory_space<hbm>>
      %dma_wait3A_39 = arith.constant 0 : i32
      %dma_wait3A_40 = tpu.memref_slice %dma_wait3A_38[%mul3A_2, %dma_wait3A_39] : memref<10112x128xf32, #tpu.memory_space<hbm>> -> memref<632x128xf32, #tpu.memory_space<hbm>>
      %dma_wait3A_41 = arith.constant 0 : i32
      %dma_wait3A_42 = tpu.memref_slice %arg11[%mul3A_2, %dma_wait3A_41] : memref<10112x128xf32, #tpu.memory_space<vmem_shared>> -> memref<632x128xf32, #tpu.memory_space<vmem_shared>>
      tpu.wait_dma2 semaphore(%run_scoped3A : memref<!tpu.dma_semaphore, #tpu.memory_space<semaphore_mem>>) src(%dma_wait3A_42 : memref<632x128xf32, #tpu.memory_space<vmem_shared>>) dst(%dma_wait3A_40 : memref<632x128xf32, #tpu.memory_space<hbm>>)
      tpu.yield
    }) : () -> ()
    return
  }
}

#map = affine_map<(d0, d1) -> (0, 0)>
#map1 = affine_map<(d0, d1) -> (0, 0, 0)>
module attributes {stable_mosaic.version = 14 : i64} {
  func.func @_sc_agg_body(%arg0: i32, %arg1: i32, %arg2: memref<10000x128xf32, #tpu.memory_space<hbm>>, %arg3: memref<32x80x125xi32, #tpu.memory_space<hbm>>, %arg4: memref<32x80x125xi32, #tpu.memory_space<hbm>>, %arg5: memref<632x128xf32, #tpu.memory_space<hbm>>, %arg6: memref<2x10112x128xf32, #tpu.memory_space<hbm>>, %arg7: memref<40x125xi32, #tpu.memory_space<vmem>>, %arg8: memref<40x125xi32, #tpu.memory_space<vmem>>, %arg9: memref<125x128xf32, #tpu.memory_space<vmem>>, %arg10: memref<125x128xf32, #tpu.memory_space<vmem>>, %arg11: memref<10112x128xf32, #tpu.memory_space<vmem_shared>>, %arg12: memref<!tpu.dma_semaphore, #tpu.memory_space<semaphore_mem>>, %arg13: memref<!tpu.dma_semaphore, #tpu.memory_space<semaphore_mem>>) attributes {dimension_semantics = [#tpu.dimension_semantics<core_parallel>, #tpu.dimension_semantics<subcore_parallel>], iteration_bounds = array<i64: 2, 16>, scalar_prefetch = 0 : i64, scratch_operands = 7 : i64, tpu.core_type = #tpu.core_type<sc_vector_subcore>, window_params = [{transform_indices = #map}, {transform_indices = #map1}, {transform_indices = #map1}, {transform_indices = #map}, {transform_indices = #map1}]} {
    %mul3A = arith.constant 16 : i32
    %mul3A_0 = arith.muli %arg0, %mul3A : i32
    %add3A = arith.addi %mul3A_0, %arg1 : i32
    %mul3A_1 = arith.constant 632 : i32
    %mul3A_2 = arith.muli %arg1, %mul3A_1 : i32
    "tpu.region"() ({
      %run_scoped3A = tpu.sem_alloc : memref<!tpu.dma_semaphore, #tpu.memory_space<semaphore_mem>>
      %dma_start3A_28 = arith.constant 0 : i32
      %dma_start3A_29 = tpu.memref_slice %arg11[%mul3A_2, %dma_start3A_28] : memref<10112x128xf32, #tpu.memory_space<vmem_shared>> -> memref<632x128xf32, #tpu.memory_space<vmem_shared>>
      tpu.enqueue_dma source(%arg5 : memref<632x128xf32, #tpu.memory_space<hbm>>) target(%dma_start3A_29 : memref<632x128xf32, #tpu.memory_space<vmem_shared>>) target_semaphore(%run_scoped3A : memref<!tpu.dma_semaphore, #tpu.memory_space<semaphore_mem>>)
      %dma_wait3A = arith.constant 0 : i32
      %dma_wait3A_30 = tpu.memref_slice %arg11[%mul3A_2, %dma_wait3A] : memref<10112x128xf32, #tpu.memory_space<vmem_shared>> -> memref<632x128xf32, #tpu.memory_space<vmem_shared>>
      tpu.wait_dma2 semaphore(%run_scoped3A : memref<!tpu.dma_semaphore, #tpu.memory_space<semaphore_mem>>) src(%arg5 : memref<632x128xf32, #tpu.memory_space<hbm>>) dst(%dma_wait3A_30 : memref<632x128xf32, #tpu.memory_space<vmem_shared>>)
      tpu.yield
    }) : () -> ()
    %barrier3A = arith.constant 0 : index
    tpu.barrier barrier_id(%barrier3A)
    "tpu.region"() ({
      %run_scoped3A = tpu.sem_alloc : memref<!tpu.dma_semaphore, #tpu.memory_space<semaphore_mem>>
      %dma_start3A_28 = arith.constant 0 : i32
      %dma_start3A_29 = arith.constant 0 : i32
      %dma_start3A_30 = tpu.memref_slice %arg3[%add3A, %dma_start3A_28, %dma_start3A_29] : memref<32x80x125xi32, #tpu.memory_space<hbm>> -> memref<1x80x125xi32, #tpu.memory_space<hbm>>
      %dma_start3A_31 = tpu.memref_squeeze %dma_start3A_30 : memref<1x80x125xi32, #tpu.memory_space<hbm>> -> memref<80x125xi32, #tpu.memory_space<hbm>>
      %dma_start3A_32 = arith.constant 0 : i32
      %dma_start3A_33 = arith.constant 0 : i32
      %dma_start3A_34 = tpu.memref_slice %dma_start3A_31[%dma_start3A_32, %dma_start3A_33] : memref<80x125xi32, #tpu.memory_space<hbm>> -> memref<40x125xi32, #tpu.memory_space<hbm>>
      %dma_start3A_35 = arith.constant 0 : i32
      %dma_start3A_36 = arith.constant 0 : i32
      %dma_start3A_37 = tpu.memref_slice %arg3[%add3A, %dma_start3A_35, %dma_start3A_36] : memref<32x80x125xi32, #tpu.memory_space<hbm>> -> memref<1x80x125xi32, #tpu.memory_space<hbm>>
      %dma_start3A_38 = tpu.memref_squeeze %dma_start3A_37 : memref<1x80x125xi32, #tpu.memory_space<hbm>> -> memref<80x125xi32, #tpu.memory_space<hbm>>
      %dma_start3A_39 = arith.constant 0 : i32
      %dma_start3A_40 = arith.constant 0 : i32
      %dma_start3A_41 = tpu.memref_slice %dma_start3A_38[%dma_start3A_39, %dma_start3A_40] : memref<80x125xi32, #tpu.memory_space<hbm>> -> memref<40x125xi32, #tpu.memory_space<hbm>>
      tpu.enqueue_dma source(%dma_start3A_41 : memref<40x125xi32, #tpu.memory_space<hbm>>) target(%arg7 : memref<40x125xi32, #tpu.memory_space<vmem>>) target_semaphore(%run_scoped3A : memref<!tpu.dma_semaphore, #tpu.memory_space<semaphore_mem>>)
      %dma_wait3A = arith.constant 0 : i32
      %dma_wait3A_42 = arith.constant 0 : i32
      %dma_wait3A_43 = tpu.memref_slice %arg3[%add3A, %dma_wait3A, %dma_wait3A_42] : memref<32x80x125xi32, #tpu.memory_space<hbm>> -> memref<1x80x125xi32, #tpu.memory_space<hbm>>
      %dma_wait3A_44 = tpu.memref_squeeze %dma_wait3A_43 : memref<1x80x125xi32, #tpu.memory_space<hbm>> -> memref<80x125xi32, #tpu.memory_space<hbm>>
      %dma_wait3A_45 = arith.constant 0 : i32
      %dma_wait3A_46 = arith.constant 0 : i32
      %dma_wait3A_47 = tpu.memref_slice %dma_wait3A_44[%dma_wait3A_45, %dma_wait3A_46] : memref<80x125xi32, #tpu.memory_space<hbm>> -> memref<40x125xi32, #tpu.memory_space<hbm>>
      %dma_wait3A_48 = arith.constant 0 : i32
      %dma_wait3A_49 = arith.constant 0 : i32
      %dma_wait3A_50 = tpu.memref_slice %arg3[%add3A, %dma_wait3A_48, %dma_wait3A_49] : memref<32x80x125xi32, #tpu.memory_space<hbm>> -> memref<1x80x125xi32, #tpu.memory_space<hbm>>
      %dma_wait3A_51 = tpu.memref_squeeze %dma_wait3A_50 : memref<1x80x125xi32, #tpu.memory_space<hbm>> -> memref<80x125xi32, #tpu.memory_space<hbm>>
      %dma_wait3A_52 = arith.constant 0 : i32
      %dma_wait3A_53 = arith.constant 0 : i32
      %dma_wait3A_54 = tpu.memref_slice %dma_wait3A_51[%dma_wait3A_52, %dma_wait3A_53] : memref<80x125xi32, #tpu.memory_space<hbm>> -> memref<40x125xi32, #tpu.memory_space<hbm>>
      tpu.wait_dma2 semaphore(%run_scoped3A : memref<!tpu.dma_semaphore, #tpu.memory_space<semaphore_mem>>) src(%dma_wait3A_54 : memref<40x125xi32, #tpu.memory_space<hbm>>) dst(%arg7 : memref<40x125xi32, #tpu.memory_space<vmem>>)
      tpu.yield
    }) : () -> ()
    "tpu.region"() ({
      %run_scoped3A = tpu.sem_alloc : memref<!tpu.dma_semaphore, #tpu.memory_space<semaphore_mem>>
      %dma_start3A_28 = arith.constant 0 : i32
      %dma_start3A_29 = arith.constant 0 : i32
      %dma_start3A_30 = tpu.memref_slice %arg4[%add3A, %dma_start3A_28, %dma_start3A_29] : memref<32x80x125xi32, #tpu.memory_space<hbm>> -> memref<1x80x125xi32, #tpu.memory_space<hbm>>
      %dma_start3A_31 = tpu.memref_squeeze %dma_start3A_30 : memref<1x80x125xi32, #tpu.memory_space<hbm>> -> memref<80x125xi32, #tpu.memory_space<hbm>>
      %dma_start3A_32 = arith.constant 0 : i32
      %dma_start3A_33 = arith.constant 0 : i32
      %dma_start3A_34 = tpu.memref_slice %dma_start3A_31[%dma_start3A_32, %dma_start3A_33] : memref<80x125xi32, #tpu.memory_space<hbm>> -> memref<40x125xi32, #tpu.memory_space<hbm>>
      %dma_start3A_35 = arith.constant 0 : i32
      %dma_start3A_36 = arith.constant 0 : i32
      %dma_start3A_37 = tpu.memref_slice %arg4[%add3A, %dma_start3A_35, %dma_start3A_36] : memref<32x80x125xi32, #tpu.memory_space<hbm>> -> memref<1x80x125xi32, #tpu.memory_space<hbm>>
      %dma_start3A_38 = tpu.memref_squeeze %dma_start3A_37 : memref<1x80x125xi32, #tpu.memory_space<hbm>> -> memref<80x125xi32, #tpu.memory_space<hbm>>
      %dma_start3A_39 = arith.constant 0 : i32
      %dma_start3A_40 = arith.constant 0 : i32
      %dma_start3A_41 = tpu.memref_slice %dma_start3A_38[%dma_start3A_39, %dma_start3A_40] : memref<80x125xi32, #tpu.memory_space<hbm>> -> memref<40x125xi32, #tpu.memory_space<hbm>>
      tpu.enqueue_dma source(%dma_start3A_41 : memref<40x125xi32, #tpu.memory_space<hbm>>) target(%arg8 : memref<40x125xi32, #tpu.memory_space<vmem>>) target_semaphore(%run_scoped3A : memref<!tpu.dma_semaphore, #tpu.memory_space<semaphore_mem>>)
      %dma_wait3A = arith.constant 0 : i32
      %dma_wait3A_42 = arith.constant 0 : i32
      %dma_wait3A_43 = tpu.memref_slice %arg4[%add3A, %dma_wait3A, %dma_wait3A_42] : memref<32x80x125xi32, #tpu.memory_space<hbm>> -> memref<1x80x125xi32, #tpu.memory_space<hbm>>
      %dma_wait3A_44 = tpu.memref_squeeze %dma_wait3A_43 : memref<1x80x125xi32, #tpu.memory_space<hbm>> -> memref<80x125xi32, #tpu.memory_space<hbm>>
      %dma_wait3A_45 = arith.constant 0 : i32
      %dma_wait3A_46 = arith.constant 0 : i32
      %dma_wait3A_47 = tpu.memref_slice %dma_wait3A_44[%dma_wait3A_45, %dma_wait3A_46] : memref<80x125xi32, #tpu.memory_space<hbm>> -> memref<40x125xi32, #tpu.memory_space<hbm>>
      %dma_wait3A_48 = arith.constant 0 : i32
      %dma_wait3A_49 = arith.constant 0 : i32
      %dma_wait3A_50 = tpu.memref_slice %arg4[%add3A, %dma_wait3A_48, %dma_wait3A_49] : memref<32x80x125xi32, #tpu.memory_space<hbm>> -> memref<1x80x125xi32, #tpu.memory_space<hbm>>
      %dma_wait3A_51 = tpu.memref_squeeze %dma_wait3A_50 : memref<1x80x125xi32, #tpu.memory_space<hbm>> -> memref<80x125xi32, #tpu.memory_space<hbm>>
      %dma_wait3A_52 = arith.constant 0 : i32
      %dma_wait3A_53 = arith.constant 0 : i32
      %dma_wait3A_54 = tpu.memref_slice %dma_wait3A_51[%dma_wait3A_52, %dma_wait3A_53] : memref<80x125xi32, #tpu.memory_space<hbm>> -> memref<40x125xi32, #tpu.memory_space<hbm>>
      tpu.wait_dma2 semaphore(%run_scoped3A : memref<!tpu.dma_semaphore, #tpu.memory_space<semaphore_mem>>) src(%dma_wait3A_54 : memref<40x125xi32, #tpu.memory_space<hbm>>) dst(%arg8 : memref<40x125xi32, #tpu.memory_space<vmem>>)
      tpu.yield
    }) : () -> ()
    %dma_start3A = arith.constant 0 : i32
    %dma_start3A_3 = arith.constant 0 : i32
    %dma_start3A_4 = tpu.memref_slice %arg7[%dma_start3A, %dma_start3A_3] : memref<40x125xi32, #tpu.memory_space<vmem>> -> memref<1x125xi32, #tpu.memory_space<vmem>>
    %dma_start3A_5 = tpu.memref_squeeze %dma_start3A_4 : memref<1x125xi32, #tpu.memory_space<vmem>> -> memref<125xi32, #tpu.memory_space<vmem>>
    %dma_start3A_6 = arith.constant 0 : i32
    %dma_start3A_7 = arith.constant 0 : i32
    %dma_start3A_8 = tpu.memref_slice %arg2[%dma_start3A_6, %dma_start3A_7] : memref<10000x128xf32, #tpu.memory_space<hbm>> -> memref<10000x128xf32, #tpu.memory_space<hbm>>
    tpu.enqueue_indirect_dma source(%dma_start3A_8 : memref<10000x128xf32, #tpu.memory_space<hbm>>) target(%arg9 : memref<125x128xf32, #tpu.memory_space<vmem>>) offsets(%dma_start3A_5 : memref<125xi32, #tpu.memory_space<vmem>>) semaphore(%arg12 : memref<!tpu.dma_semaphore, #tpu.memory_space<semaphore_mem>>)
    %scan3A = arith.constant 0 : i32
    %scan3A_9 = arith.constant 0 : i32
    %scan3A_10 = arith.constant 20 : i32
    %scan3A_11 = arith.addi %scan3A_9, %scan3A_10 : i32
    %scan3A_12 = arith.constant 1 : i32
    scf.for %scan3A_28 = %scan3A_9 to %scan3A_11 step %scan3A_12  : i32 {
      %mul3A_29 = arith.constant 2 : i32
      %mul3A_30 = arith.muli %mul3A_29, %scan3A_28 : i32
      %add3A_31 = arith.constant 1 : i32
      %add3A_32 = arith.addi %mul3A_30, %add3A_31 : i32
      %add3A_33 = arith.constant 2 : i32
      %add3A_34 = arith.addi %mul3A_30, %add3A_33 : i32
      %dma_wait3A = arith.constant 0 : i32
      %dma_wait3A_35 = tpu.memref_slice %arg7[%mul3A_30, %dma_wait3A] : memref<40x125xi32, #tpu.memory_space<vmem>> -> memref<1x125xi32, #tpu.memory_space<vmem>>
      %dma_wait3A_36 = tpu.memref_squeeze %dma_wait3A_35 : memref<1x125xi32, #tpu.memory_space<vmem>> -> memref<125xi32, #tpu.memory_space<vmem>>
      %dma_wait3A_37 = arith.constant 0 : i32
      %dma_wait3A_38 = arith.constant 0 : i32
      %dma_wait3A_39 = tpu.memref_slice %arg2[%dma_wait3A_37, %dma_wait3A_38] : memref<10000x128xf32, #tpu.memory_space<hbm>> -> memref<10000x128xf32, #tpu.memory_space<hbm>>
      tpu.wait_indirect_dma semaphore(%arg12 : memref<!tpu.dma_semaphore, #tpu.memory_space<semaphore_mem>>) src(%dma_wait3A_39 : memref<10000x128xf32, #tpu.memory_space<hbm>>) dst(%arg9 : memref<125x128xf32, #tpu.memory_space<vmem>>)
      %dma_start3A_40 = arith.constant 0 : i32
      %dma_start3A_41 = tpu.memref_slice %arg7[%add3A_32, %dma_start3A_40] : memref<40x125xi32, #tpu.memory_space<vmem>> -> memref<1x125xi32, #tpu.memory_space<vmem>>
      %dma_start3A_42 = tpu.memref_squeeze %dma_start3A_41 : memref<1x125xi32, #tpu.memory_space<vmem>> -> memref<125xi32, #tpu.memory_space<vmem>>
      %dma_start3A_43 = arith.constant 0 : i32
      %dma_start3A_44 = arith.constant 0 : i32
      %dma_start3A_45 = tpu.memref_slice %arg2[%dma_start3A_43, %dma_start3A_44] : memref<10000x128xf32, #tpu.memory_space<hbm>> -> memref<10000x128xf32, #tpu.memory_space<hbm>>
      tpu.enqueue_indirect_dma source(%dma_start3A_45 : memref<10000x128xf32, #tpu.memory_space<hbm>>) target(%arg10 : memref<125x128xf32, #tpu.memory_space<vmem>>) offsets(%dma_start3A_42 : memref<125xi32, #tpu.memory_space<vmem>>) semaphore(%arg13 : memref<!tpu.dma_semaphore, #tpu.memory_space<semaphore_mem>>)
      "tpu.region"() ({
        %run_scoped3A = tpu.sem_alloc : memref<!tpu.dma_semaphore, #tpu.memory_space<semaphore_mem>>
        %dma_start3A_54 = arith.constant 0 : i32
        %dma_start3A_55 = tpu.memref_slice %arg8[%mul3A_30, %dma_start3A_54] : memref<40x125xi32, #tpu.memory_space<vmem>> -> memref<1x125xi32, #tpu.memory_space<vmem>>
        %dma_start3A_56 = tpu.memref_squeeze %dma_start3A_55 : memref<1x125xi32, #tpu.memory_space<vmem>> -> memref<125xi32, #tpu.memory_space<vmem>>
        %dma_start3A_57 = arith.constant 0 : i32
        %dma_start3A_58 = arith.constant 0 : i32
        %dma_start3A_59 = tpu.memref_slice %arg11[%dma_start3A_57, %dma_start3A_58] : memref<10112x128xf32, #tpu.memory_space<vmem_shared>> -> memref<10112x128xf32, #tpu.memory_space<vmem_shared>>
        tpu.enqueue_indirect_dma source(%arg9 : memref<125x128xf32, #tpu.memory_space<vmem>>) target(%dma_start3A_59 : memref<10112x128xf32, #tpu.memory_space<vmem_shared>>) offsets(%dma_start3A_56 : memref<125xi32, #tpu.memory_space<vmem>>) semaphore(%run_scoped3A : memref<!tpu.dma_semaphore, #tpu.memory_space<semaphore_mem>>) {add = true}
        %dma_wait3A_60 = arith.constant 0 : i32
        %dma_wait3A_61 = tpu.memref_slice %arg8[%mul3A_30, %dma_wait3A_60] : memref<40x125xi32, #tpu.memory_space<vmem>> -> memref<1x125xi32, #tpu.memory_space<vmem>>
        %dma_wait3A_62 = tpu.memref_squeeze %dma_wait3A_61 : memref<1x125xi32, #tpu.memory_space<vmem>> -> memref<125xi32, #tpu.memory_space<vmem>>
        %dma_wait3A_63 = arith.constant 0 : i32
        %dma_wait3A_64 = arith.constant 0 : i32
        %dma_wait3A_65 = tpu.memref_slice %arg11[%dma_wait3A_63, %dma_wait3A_64] : memref<10112x128xf32, #tpu.memory_space<vmem_shared>> -> memref<10112x128xf32, #tpu.memory_space<vmem_shared>>
        tpu.wait_indirect_dma semaphore(%run_scoped3A : memref<!tpu.dma_semaphore, #tpu.memory_space<semaphore_mem>>) src(%arg9 : memref<125x128xf32, #tpu.memory_space<vmem>>) dst(%dma_wait3A_65 : memref<10112x128xf32, #tpu.memory_space<vmem_shared>>)
        tpu.yield
      }) : () -> ()
      %dma_wait3A_46 = arith.constant 0 : i32
      %dma_wait3A_47 = tpu.memref_slice %arg7[%add3A_32, %dma_wait3A_46] : memref<40x125xi32, #tpu.memory_space<vmem>> -> memref<1x125xi32, #tpu.memory_space<vmem>>
      %dma_wait3A_48 = tpu.memref_squeeze %dma_wait3A_47 : memref<1x125xi32, #tpu.memory_space<vmem>> -> memref<125xi32, #tpu.memory_space<vmem>>
      %dma_wait3A_49 = arith.constant 0 : i32
      %dma_wait3A_50 = arith.constant 0 : i32
      %dma_wait3A_51 = tpu.memref_slice %arg2[%dma_wait3A_49, %dma_wait3A_50] : memref<10000x128xf32, #tpu.memory_space<hbm>> -> memref<10000x128xf32, #tpu.memory_space<hbm>>
      tpu.wait_indirect_dma semaphore(%arg13 : memref<!tpu.dma_semaphore, #tpu.memory_space<semaphore_mem>>) src(%dma_wait3A_51 : memref<10000x128xf32, #tpu.memory_space<hbm>>) dst(%arg10 : memref<125x128xf32, #tpu.memory_space<vmem>>)
      %lt3A = arith.constant 40 : i32
      %lt3A_52 = arith.cmpi slt, %add3A_34, %lt3A : i32
      %convert_element_type3A = arith.extui %lt3A_52 : i1 to i32
      %cond3A = arith.constant 0 : i32
      %cond3A_53 = arith.cmpi ne, %convert_element_type3A, %cond3A : i32
      scf.if %cond3A_53 {
        %dma_start3A_54 = arith.constant 0 : i32
        %dma_start3A_55 = tpu.memref_slice %arg7[%add3A_34, %dma_start3A_54] : memref<40x125xi32, #tpu.memory_space<vmem>> -> memref<1x125xi32, #tpu.memory_space<vmem>>
        %dma_start3A_56 = tpu.memref_squeeze %dma_start3A_55 : memref<1x125xi32, #tpu.memory_space<vmem>> -> memref<125xi32, #tpu.memory_space<vmem>>
        %dma_start3A_57 = arith.constant 0 : i32
        %dma_start3A_58 = arith.constant 0 : i32
        %dma_start3A_59 = tpu.memref_slice %arg2[%dma_start3A_57, %dma_start3A_58] : memref<10000x128xf32, #tpu.memory_space<hbm>> -> memref<10000x128xf32, #tpu.memory_space<hbm>>
        tpu.enqueue_indirect_dma source(%dma_start3A_59 : memref<10000x128xf32, #tpu.memory_space<hbm>>) target(%arg9 : memref<125x128xf32, #tpu.memory_space<vmem>>) offsets(%dma_start3A_56 : memref<125xi32, #tpu.memory_space<vmem>>) semaphore(%arg12 : memref<!tpu.dma_semaphore, #tpu.memory_space<semaphore_mem>>)
      } else {
      }
      "tpu.region"() ({
        %run_scoped3A = tpu.sem_alloc : memref<!tpu.dma_semaphore, #tpu.memory_space<semaphore_mem>>
        %dma_start3A_54 = arith.constant 0 : i32
        %dma_start3A_55 = tpu.memref_slice %arg8[%add3A_32, %dma_start3A_54] : memref<40x125xi32, #tpu.memory_space<vmem>> -> memref<1x125xi32, #tpu.memory_space<vmem>>
        %dma_start3A_56 = tpu.memref_squeeze %dma_start3A_55 : memref<1x125xi32, #tpu.memory_space<vmem>> -> memref<125xi32, #tpu.memory_space<vmem>>
        %dma_start3A_57 = arith.constant 0 : i32
        %dma_start3A_58 = arith.constant 0 : i32
        %dma_start3A_59 = tpu.memref_slice %arg11[%dma_start3A_57, %dma_start3A_58] : memref<10112x128xf32, #tpu.memory_space<vmem_shared>> -> memref<10112x128xf32, #tpu.memory_space<vmem_shared>>
        tpu.enqueue_indirect_dma source(%arg10 : memref<125x128xf32, #tpu.memory_space<vmem>>) target(%dma_start3A_59 : memref<10112x128xf32, #tpu.memory_space<vmem_shared>>) offsets(%dma_start3A_56 : memref<125xi32, #tpu.memory_space<vmem>>) semaphore(%run_scoped3A : memref<!tpu.dma_semaphore, #tpu.memory_space<semaphore_mem>>) {add = true}
        %dma_wait3A_60 = arith.constant 0 : i32
        %dma_wait3A_61 = tpu.memref_slice %arg8[%add3A_32, %dma_wait3A_60] : memref<40x125xi32, #tpu.memory_space<vmem>> -> memref<1x125xi32, #tpu.memory_space<vmem>>
        %dma_wait3A_62 = tpu.memref_squeeze %dma_wait3A_61 : memref<1x125xi32, #tpu.memory_space<vmem>> -> memref<125xi32, #tpu.memory_space<vmem>>
        %dma_wait3A_63 = arith.constant 0 : i32
        %dma_wait3A_64 = arith.constant 0 : i32
        %dma_wait3A_65 = tpu.memref_slice %arg11[%dma_wait3A_63, %dma_wait3A_64] : memref<10112x128xf32, #tpu.memory_space<vmem_shared>> -> memref<10112x128xf32, #tpu.memory_space<vmem_shared>>
        tpu.wait_indirect_dma semaphore(%run_scoped3A : memref<!tpu.dma_semaphore, #tpu.memory_space<semaphore_mem>>) src(%arg10 : memref<125x128xf32, #tpu.memory_space<vmem>>) dst(%dma_wait3A_65 : memref<10112x128xf32, #tpu.memory_space<vmem_shared>>)
        tpu.yield
      }) : () -> ()
    }
    %scan3A_13 = arith.constant 20 : i32
    "tpu.region"() ({
      %run_scoped3A = tpu.sem_alloc : memref<!tpu.dma_semaphore, #tpu.memory_space<semaphore_mem>>
      %dma_start3A_28 = arith.constant 0 : i32
      %dma_start3A_29 = arith.constant 0 : i32
      %dma_start3A_30 = tpu.memref_slice %arg3[%add3A, %dma_start3A_28, %dma_start3A_29] : memref<32x80x125xi32, #tpu.memory_space<hbm>> -> memref<1x80x125xi32, #tpu.memory_space<hbm>>
      %dma_start3A_31 = tpu.memref_squeeze %dma_start3A_30 : memref<1x80x125xi32, #tpu.memory_space<hbm>> -> memref<80x125xi32, #tpu.memory_space<hbm>>
      %dma_start3A_32 = arith.constant 40 : i32
      %dma_start3A_33 = arith.constant 0 : i32
      %dma_start3A_34 = tpu.memref_slice %dma_start3A_31[%dma_start3A_32, %dma_start3A_33] : memref<80x125xi32, #tpu.memory_space<hbm>> -> memref<40x125xi32, #tpu.memory_space<hbm>>
      %dma_start3A_35 = arith.constant 0 : i32
      %dma_start3A_36 = arith.constant 0 : i32
      %dma_start3A_37 = tpu.memref_slice %arg3[%add3A, %dma_start3A_35, %dma_start3A_36] : memref<32x80x125xi32, #tpu.memory_space<hbm>> -> memref<1x80x125xi32, #tpu.memory_space<hbm>>
      %dma_start3A_38 = tpu.memref_squeeze %dma_start3A_37 : memref<1x80x125xi32, #tpu.memory_space<hbm>> -> memref<80x125xi32, #tpu.memory_space<hbm>>
      %dma_start3A_39 = arith.constant 40 : i32
      %dma_start3A_40 = arith.constant 0 : i32
      %dma_start3A_41 = tpu.memref_slice %dma_start3A_38[%dma_start3A_39, %dma_start3A_40] : memref<80x125xi32, #tpu.memory_space<hbm>> -> memref<40x125xi32, #tpu.memory_space<hbm>>
      tpu.enqueue_dma source(%dma_start3A_41 : memref<40x125xi32, #tpu.memory_space<hbm>>) target(%arg7 : memref<40x125xi32, #tpu.memory_space<vmem>>) target_semaphore(%run_scoped3A : memref<!tpu.dma_semaphore, #tpu.memory_space<semaphore_mem>>)
      %dma_wait3A = arith.constant 0 : i32
      %dma_wait3A_42 = arith.constant 0 : i32
      %dma_wait3A_43 = tpu.memref_slice %arg3[%add3A, %dma_wait3A, %dma_wait3A_42] : memref<32x80x125xi32, #tpu.memory_space<hbm>> -> memref<1x80x125xi32, #tpu.memory_space<hbm>>
      %dma_wait3A_44 = tpu.memref_squeeze %dma_wait3A_43 : memref<1x80x125xi32, #tpu.memory_space<hbm>> -> memref<80x125xi32, #tpu.memory_space<hbm>>
      %dma_wait3A_45 = arith.constant 40 : i32
      %dma_wait3A_46 = arith.constant 0 : i32
      %dma_wait3A_47 = tpu.memref_slice %dma_wait3A_44[%dma_wait3A_45, %dma_wait3A_46] : memref<80x125xi32, #tpu.memory_space<hbm>> -> memref<40x125xi32, #tpu.memory_space<hbm>>
      %dma_wait3A_48 = arith.constant 0 : i32
      %dma_wait3A_49 = arith.constant 0 : i32
      %dma_wait3A_50 = tpu.memref_slice %arg3[%add3A, %dma_wait3A_48, %dma_wait3A_49] : memref<32x80x125xi32, #tpu.memory_space<hbm>> -> memref<1x80x125xi32, #tpu.memory_space<hbm>>
      %dma_wait3A_51 = tpu.memref_squeeze %dma_wait3A_50 : memref<1x80x125xi32, #tpu.memory_space<hbm>> -> memref<80x125xi32, #tpu.memory_space<hbm>>
      %dma_wait3A_52 = arith.constant 40 : i32
      %dma_wait3A_53 = arith.constant 0 : i32
      %dma_wait3A_54 = tpu.memref_slice %dma_wait3A_51[%dma_wait3A_52, %dma_wait3A_53] : memref<80x125xi32, #tpu.memory_space<hbm>> -> memref<40x125xi32, #tpu.memory_space<hbm>>
      tpu.wait_dma2 semaphore(%run_scoped3A : memref<!tpu.dma_semaphore, #tpu.memory_space<semaphore_mem>>) src(%dma_wait3A_54 : memref<40x125xi32, #tpu.memory_space<hbm>>) dst(%arg7 : memref<40x125xi32, #tpu.memory_space<vmem>>)
      tpu.yield
    }) : () -> ()
    "tpu.region"() ({
      %run_scoped3A = tpu.sem_alloc : memref<!tpu.dma_semaphore, #tpu.memory_space<semaphore_mem>>
      %dma_start3A_28 = arith.constant 0 : i32
      %dma_start3A_29 = arith.constant 0 : i32
      %dma_start3A_30 = tpu.memref_slice %arg4[%add3A, %dma_start3A_28, %dma_start3A_29] : memref<32x80x125xi32, #tpu.memory_space<hbm>> -> memref<1x80x125xi32, #tpu.memory_space<hbm>>
      %dma_start3A_31 = tpu.memref_squeeze %dma_start3A_30 : memref<1x80x125xi32, #tpu.memory_space<hbm>> -> memref<80x125xi32, #tpu.memory_space<hbm>>
      %dma_start3A_32 = arith.constant 40 : i32
      %dma_start3A_33 = arith.constant 0 : i32
      %dma_start3A_34 = tpu.memref_slice %dma_start3A_31[%dma_start3A_32, %dma_start3A_33] : memref<80x125xi32, #tpu.memory_space<hbm>> -> memref<40x125xi32, #tpu.memory_space<hbm>>
      %dma_start3A_35 = arith.constant 0 : i32
      %dma_start3A_36 = arith.constant 0 : i32
      %dma_start3A_37 = tpu.memref_slice %arg4[%add3A, %dma_start3A_35, %dma_start3A_36] : memref<32x80x125xi32, #tpu.memory_space<hbm>> -> memref<1x80x125xi32, #tpu.memory_space<hbm>>
      %dma_start3A_38 = tpu.memref_squeeze %dma_start3A_37 : memref<1x80x125xi32, #tpu.memory_space<hbm>> -> memref<80x125xi32, #tpu.memory_space<hbm>>
      %dma_start3A_39 = arith.constant 40 : i32
      %dma_start3A_40 = arith.constant 0 : i32
      %dma_start3A_41 = tpu.memref_slice %dma_start3A_38[%dma_start3A_39, %dma_start3A_40] : memref<80x125xi32, #tpu.memory_space<hbm>> -> memref<40x125xi32, #tpu.memory_space<hbm>>
      tpu.enqueue_dma source(%dma_start3A_41 : memref<40x125xi32, #tpu.memory_space<hbm>>) target(%arg8 : memref<40x125xi32, #tpu.memory_space<vmem>>) target_semaphore(%run_scoped3A : memref<!tpu.dma_semaphore, #tpu.memory_space<semaphore_mem>>)
      %dma_wait3A = arith.constant 0 : i32
      %dma_wait3A_42 = arith.constant 0 : i32
      %dma_wait3A_43 = tpu.memref_slice %arg4[%add3A, %dma_wait3A, %dma_wait3A_42] : memref<32x80x125xi32, #tpu.memory_space<hbm>> -> memref<1x80x125xi32, #tpu.memory_space<hbm>>
      %dma_wait3A_44 = tpu.memref_squeeze %dma_wait3A_43 : memref<1x80x125xi32, #tpu.memory_space<hbm>> -> memref<80x125xi32, #tpu.memory_space<hbm>>
      %dma_wait3A_45 = arith.constant 40 : i32
      %dma_wait3A_46 = arith.constant 0 : i32
      %dma_wait3A_47 = tpu.memref_slice %dma_wait3A_44[%dma_wait3A_45, %dma_wait3A_46] : memref<80x125xi32, #tpu.memory_space<hbm>> -> memref<40x125xi32, #tpu.memory_space<hbm>>
      %dma_wait3A_48 = arith.constant 0 : i32
      %dma_wait3A_49 = arith.constant 0 : i32
      %dma_wait3A_50 = tpu.memref_slice %arg4[%add3A, %dma_wait3A_48, %dma_wait3A_49] : memref<32x80x125xi32, #tpu.memory_space<hbm>> -> memref<1x80x125xi32, #tpu.memory_space<hbm>>
      %dma_wait3A_51 = tpu.memref_squeeze %dma_wait3A_50 : memref<1x80x125xi32, #tpu.memory_space<hbm>> -> memref<80x125xi32, #tpu.memory_space<hbm>>
      %dma_wait3A_52 = arith.constant 40 : i32
      %dma_wait3A_53 = arith.constant 0 : i32
      %dma_wait3A_54 = tpu.memref_slice %dma_wait3A_51[%dma_wait3A_52, %dma_wait3A_53] : memref<80x125xi32, #tpu.memory_space<hbm>> -> memref<40x125xi32, #tpu.memory_space<hbm>>
      tpu.wait_dma2 semaphore(%run_scoped3A : memref<!tpu.dma_semaphore, #tpu.memory_space<semaphore_mem>>) src(%dma_wait3A_54 : memref<40x125xi32, #tpu.memory_space<hbm>>) dst(%arg8 : memref<40x125xi32, #tpu.memory_space<vmem>>)
      tpu.yield
    }) : () -> ()
    %dma_start3A_14 = arith.constant 0 : i32
    %dma_start3A_15 = arith.constant 0 : i32
    %dma_start3A_16 = tpu.memref_slice %arg7[%dma_start3A_14, %dma_start3A_15] : memref<40x125xi32, #tpu.memory_space<vmem>> -> memref<1x125xi32, #tpu.memory_space<vmem>>
    %dma_start3A_17 = tpu.memref_squeeze %dma_start3A_16 : memref<1x125xi32, #tpu.memory_space<vmem>> -> memref<125xi32, #tpu.memory_space<vmem>>
    %dma_start3A_18 = arith.constant 0 : i32
    %dma_start3A_19 = arith.constant 0 : i32
    %dma_start3A_20 = tpu.memref_slice %arg2[%dma_start3A_18, %dma_start3A_19] : memref<10000x128xf32, #tpu.memory_space<hbm>> -> memref<10000x128xf32, #tpu.memory_space<hbm>>
    tpu.enqueue_indirect_dma source(%dma_start3A_20 : memref<10000x128xf32, #tpu.memory_space<hbm>>) target(%arg9 : memref<125x128xf32, #tpu.memory_space<vmem>>) offsets(%dma_start3A_17 : memref<125xi32, #tpu.memory_space<vmem>>) semaphore(%arg12 : memref<!tpu.dma_semaphore, #tpu.memory_space<semaphore_mem>>)
    %scan3A_21 = arith.constant 0 : i32
    %scan3A_22 = arith.constant 0 : i32
    %scan3A_23 = arith.constant 20 : i32
    %scan3A_24 = arith.addi %scan3A_22, %scan3A_23 : i32
    %scan3A_25 = arith.constant 1 : i32
    scf.for %scan3A_28 = %scan3A_22 to %scan3A_24 step %scan3A_25  : i32 {
      %mul3A_29 = arith.constant 2 : i32
      %mul3A_30 = arith.muli %mul3A_29, %scan3A_28 : i32
      %add3A_31 = arith.constant 1 : i32
      %add3A_32 = arith.addi %mul3A_30, %add3A_31 : i32
      %add3A_33 = arith.constant 2 : i32
      %add3A_34 = arith.addi %mul3A_30, %add3A_33 : i32
      %dma_wait3A = arith.constant 0 : i32
      %dma_wait3A_35 = tpu.memref_slice %arg7[%mul3A_30, %dma_wait3A] : memref<40x125xi32, #tpu.memory_space<vmem>> -> memref<1x125xi32, #tpu.memory_space<vmem>>
      %dma_wait3A_36 = tpu.memref_squeeze %dma_wait3A_35 : memref<1x125xi32, #tpu.memory_space<vmem>> -> memref<125xi32, #tpu.memory_space<vmem>>
      %dma_wait3A_37 = arith.constant 0 : i32
      %dma_wait3A_38 = arith.constant 0 : i32
      %dma_wait3A_39 = tpu.memref_slice %arg2[%dma_wait3A_37, %dma_wait3A_38] : memref<10000x128xf32, #tpu.memory_space<hbm>> -> memref<10000x128xf32, #tpu.memory_space<hbm>>
      tpu.wait_indirect_dma semaphore(%arg12 : memref<!tpu.dma_semaphore, #tpu.memory_space<semaphore_mem>>) src(%dma_wait3A_39 : memref<10000x128xf32, #tpu.memory_space<hbm>>) dst(%arg9 : memref<125x128xf32, #tpu.memory_space<vmem>>)
      %dma_start3A_40 = arith.constant 0 : i32
      %dma_start3A_41 = tpu.memref_slice %arg7[%add3A_32, %dma_start3A_40] : memref<40x125xi32, #tpu.memory_space<vmem>> -> memref<1x125xi32, #tpu.memory_space<vmem>>
      %dma_start3A_42 = tpu.memref_squeeze %dma_start3A_41 : memref<1x125xi32, #tpu.memory_space<vmem>> -> memref<125xi32, #tpu.memory_space<vmem>>
      %dma_start3A_43 = arith.constant 0 : i32
      %dma_start3A_44 = arith.constant 0 : i32
      %dma_start3A_45 = tpu.memref_slice %arg2[%dma_start3A_43, %dma_start3A_44] : memref<10000x128xf32, #tpu.memory_space<hbm>> -> memref<10000x128xf32, #tpu.memory_space<hbm>>
      tpu.enqueue_indirect_dma source(%dma_start3A_45 : memref<10000x128xf32, #tpu.memory_space<hbm>>) target(%arg10 : memref<125x128xf32, #tpu.memory_space<vmem>>) offsets(%dma_start3A_42 : memref<125xi32, #tpu.memory_space<vmem>>) semaphore(%arg13 : memref<!tpu.dma_semaphore, #tpu.memory_space<semaphore_mem>>)
      "tpu.region"() ({
        %run_scoped3A = tpu.sem_alloc : memref<!tpu.dma_semaphore, #tpu.memory_space<semaphore_mem>>
        %dma_start3A_54 = arith.constant 0 : i32
        %dma_start3A_55 = tpu.memref_slice %arg8[%mul3A_30, %dma_start3A_54] : memref<40x125xi32, #tpu.memory_space<vmem>> -> memref<1x125xi32, #tpu.memory_space<vmem>>
        %dma_start3A_56 = tpu.memref_squeeze %dma_start3A_55 : memref<1x125xi32, #tpu.memory_space<vmem>> -> memref<125xi32, #tpu.memory_space<vmem>>
        %dma_start3A_57 = arith.constant 0 : i32
        %dma_start3A_58 = arith.constant 0 : i32
        %dma_start3A_59 = tpu.memref_slice %arg11[%dma_start3A_57, %dma_start3A_58] : memref<10112x128xf32, #tpu.memory_space<vmem_shared>> -> memref<10112x128xf32, #tpu.memory_space<vmem_shared>>
        tpu.enqueue_indirect_dma source(%arg9 : memref<125x128xf32, #tpu.memory_space<vmem>>) target(%dma_start3A_59 : memref<10112x128xf32, #tpu.memory_space<vmem_shared>>) offsets(%dma_start3A_56 : memref<125xi32, #tpu.memory_space<vmem>>) semaphore(%run_scoped3A : memref<!tpu.dma_semaphore, #tpu.memory_space<semaphore_mem>>) {add = true}
        %dma_wait3A_60 = arith.constant 0 : i32
        %dma_wait3A_61 = tpu.memref_slice %arg8[%mul3A_30, %dma_wait3A_60] : memref<40x125xi32, #tpu.memory_space<vmem>> -> memref<1x125xi32, #tpu.memory_space<vmem>>
        %dma_wait3A_62 = tpu.memref_squeeze %dma_wait3A_61 : memref<1x125xi32, #tpu.memory_space<vmem>> -> memref<125xi32, #tpu.memory_space<vmem>>
        %dma_wait3A_63 = arith.constant 0 : i32
        %dma_wait3A_64 = arith.constant 0 : i32
        %dma_wait3A_65 = tpu.memref_slice %arg11[%dma_wait3A_63, %dma_wait3A_64] : memref<10112x128xf32, #tpu.memory_space<vmem_shared>> -> memref<10112x128xf32, #tpu.memory_space<vmem_shared>>
        tpu.wait_indirect_dma semaphore(%run_scoped3A : memref<!tpu.dma_semaphore, #tpu.memory_space<semaphore_mem>>) src(%arg9 : memref<125x128xf32, #tpu.memory_space<vmem>>) dst(%dma_wait3A_65 : memref<10112x128xf32, #tpu.memory_space<vmem_shared>>)
        tpu.yield
      }) : () -> ()
      %dma_wait3A_46 = arith.constant 0 : i32
      %dma_wait3A_47 = tpu.memref_slice %arg7[%add3A_32, %dma_wait3A_46] : memref<40x125xi32, #tpu.memory_space<vmem>> -> memref<1x125xi32, #tpu.memory_space<vmem>>
      %dma_wait3A_48 = tpu.memref_squeeze %dma_wait3A_47 : memref<1x125xi32, #tpu.memory_space<vmem>> -> memref<125xi32, #tpu.memory_space<vmem>>
      %dma_wait3A_49 = arith.constant 0 : i32
      %dma_wait3A_50 = arith.constant 0 : i32
      %dma_wait3A_51 = tpu.memref_slice %arg2[%dma_wait3A_49, %dma_wait3A_50] : memref<10000x128xf32, #tpu.memory_space<hbm>> -> memref<10000x128xf32, #tpu.memory_space<hbm>>
      tpu.wait_indirect_dma semaphore(%arg13 : memref<!tpu.dma_semaphore, #tpu.memory_space<semaphore_mem>>) src(%dma_wait3A_51 : memref<10000x128xf32, #tpu.memory_space<hbm>>) dst(%arg10 : memref<125x128xf32, #tpu.memory_space<vmem>>)
      %lt3A = arith.constant 40 : i32
      %lt3A_52 = arith.cmpi slt, %add3A_34, %lt3A : i32
      %convert_element_type3A = arith.extui %lt3A_52 : i1 to i32
      %cond3A = arith.constant 0 : i32
      %cond3A_53 = arith.cmpi ne, %convert_element_type3A, %cond3A : i32
      scf.if %cond3A_53 {
        %dma_start3A_54 = arith.constant 0 : i32
        %dma_start3A_55 = tpu.memref_slice %arg7[%add3A_34, %dma_start3A_54] : memref<40x125xi32, #tpu.memory_space<vmem>> -> memref<1x125xi32, #tpu.memory_space<vmem>>
        %dma_start3A_56 = tpu.memref_squeeze %dma_start3A_55 : memref<1x125xi32, #tpu.memory_space<vmem>> -> memref<125xi32, #tpu.memory_space<vmem>>
        %dma_start3A_57 = arith.constant 0 : i32
        %dma_start3A_58 = arith.constant 0 : i32
        %dma_start3A_59 = tpu.memref_slice %arg2[%dma_start3A_57, %dma_start3A_58] : memref<10000x128xf32, #tpu.memory_space<hbm>> -> memref<10000x128xf32, #tpu.memory_space<hbm>>
        tpu.enqueue_indirect_dma source(%dma_start3A_59 : memref<10000x128xf32, #tpu.memory_space<hbm>>) target(%arg9 : memref<125x128xf32, #tpu.memory_space<vmem>>) offsets(%dma_start3A_56 : memref<125xi32, #tpu.memory_space<vmem>>) semaphore(%arg12 : memref<!tpu.dma_semaphore, #tpu.memory_space<semaphore_mem>>)
      } else {
      }
      "tpu.region"() ({
        %run_scoped3A = tpu.sem_alloc : memref<!tpu.dma_semaphore, #tpu.memory_space<semaphore_mem>>
        %dma_start3A_54 = arith.constant 0 : i32
        %dma_start3A_55 = tpu.memref_slice %arg8[%add3A_32, %dma_start3A_54] : memref<40x125xi32, #tpu.memory_space<vmem>> -> memref<1x125xi32, #tpu.memory_space<vmem>>
        %dma_start3A_56 = tpu.memref_squeeze %dma_start3A_55 : memref<1x125xi32, #tpu.memory_space<vmem>> -> memref<125xi32, #tpu.memory_space<vmem>>
        %dma_start3A_57 = arith.constant 0 : i32
        %dma_start3A_58 = arith.constant 0 : i32
        %dma_start3A_59 = tpu.memref_slice %arg11[%dma_start3A_57, %dma_start3A_58] : memref<10112x128xf32, #tpu.memory_space<vmem_shared>> -> memref<10112x128xf32, #tpu.memory_space<vmem_shared>>
        tpu.enqueue_indirect_dma source(%arg10 : memref<125x128xf32, #tpu.memory_space<vmem>>) target(%dma_start3A_59 : memref<10112x128xf32, #tpu.memory_space<vmem_shared>>) offsets(%dma_start3A_56 : memref<125xi32, #tpu.memory_space<vmem>>) semaphore(%run_scoped3A : memref<!tpu.dma_semaphore, #tpu.memory_space<semaphore_mem>>) {add = true}
        %dma_wait3A_60 = arith.constant 0 : i32
        %dma_wait3A_61 = tpu.memref_slice %arg8[%add3A_32, %dma_wait3A_60] : memref<40x125xi32, #tpu.memory_space<vmem>> -> memref<1x125xi32, #tpu.memory_space<vmem>>
        %dma_wait3A_62 = tpu.memref_squeeze %dma_wait3A_61 : memref<1x125xi32, #tpu.memory_space<vmem>> -> memref<125xi32, #tpu.memory_space<vmem>>
        %dma_wait3A_63 = arith.constant 0 : i32
        %dma_wait3A_64 = arith.constant 0 : i32
        %dma_wait3A_65 = tpu.memref_slice %arg11[%dma_wait3A_63, %dma_wait3A_64] : memref<10112x128xf32, #tpu.memory_space<vmem_shared>> -> memref<10112x128xf32, #tpu.memory_space<vmem_shared>>
        tpu.wait_indirect_dma semaphore(%run_scoped3A : memref<!tpu.dma_semaphore, #tpu.memory_space<semaphore_mem>>) src(%arg10 : memref<125x128xf32, #tpu.memory_space<vmem>>) dst(%dma_wait3A_65 : memref<10112x128xf32, #tpu.memory_space<vmem_shared>>)
        tpu.yield
      }) : () -> ()
    }
    %scan3A_26 = arith.constant 20 : i32
    %barrier3A_27 = arith.constant 0 : index
    tpu.barrier barrier_id(%barrier3A_27)
    "tpu.region"() ({
      %run_scoped3A = tpu.sem_alloc : memref<!tpu.dma_semaphore, #tpu.memory_space<semaphore_mem>>
      %dma_start3A_28 = arith.constant 0 : i32
      %dma_start3A_29 = arith.constant 0 : i32
      %dma_start3A_30 = tpu.memref_slice %arg6[%arg0, %dma_start3A_28, %dma_start3A_29] : memref<2x10112x128xf32, #tpu.memory_space<hbm>> -> memref<1x10112x128xf32, #tpu.memory_space<hbm>>
      %dma_start3A_31 = tpu.memref_squeeze %dma_start3A_30 : memref<1x10112x128xf32, #tpu.memory_space<hbm>> -> memref<10112x128xf32, #tpu.memory_space<hbm>>
      %dma_start3A_32 = arith.constant 0 : i32
      %dma_start3A_33 = tpu.memref_slice %dma_start3A_31[%mul3A_2, %dma_start3A_32] : memref<10112x128xf32, #tpu.memory_space<hbm>> -> memref<632x128xf32, #tpu.memory_space<hbm>>
      %dma_start3A_34 = arith.constant 0 : i32
      %dma_start3A_35 = tpu.memref_slice %arg11[%mul3A_2, %dma_start3A_34] : memref<10112x128xf32, #tpu.memory_space<vmem_shared>> -> memref<632x128xf32, #tpu.memory_space<vmem_shared>>
      tpu.enqueue_dma source(%dma_start3A_35 : memref<632x128xf32, #tpu.memory_space<vmem_shared>>) target(%dma_start3A_33 : memref<632x128xf32, #tpu.memory_space<hbm>>) target_semaphore(%run_scoped3A : memref<!tpu.dma_semaphore, #tpu.memory_space<semaphore_mem>>)
      %dma_wait3A = arith.constant 0 : i32
      %dma_wait3A_36 = arith.constant 0 : i32
      %dma_wait3A_37 = tpu.memref_slice %arg6[%arg0, %dma_wait3A, %dma_wait3A_36] : memref<2x10112x128xf32, #tpu.memory_space<hbm>> -> memref<1x10112x128xf32, #tpu.memory_space<hbm>>
      %dma_wait3A_38 = tpu.memref_squeeze %dma_wait3A_37 : memref<1x10112x128xf32, #tpu.memory_space<hbm>> -> memref<10112x128xf32, #tpu.memory_space<hbm>>
      %dma_wait3A_39 = arith.constant 0 : i32
      %dma_wait3A_40 = tpu.memref_slice %dma_wait3A_38[%mul3A_2, %dma_wait3A_39] : memref<10112x128xf32, #tpu.memory_space<hbm>> -> memref<632x128xf32, #tpu.memory_space<hbm>>
      %dma_wait3A_41 = arith.constant 0 : i32
      %dma_wait3A_42 = tpu.memref_slice %arg11[%mul3A_2, %dma_wait3A_41] : memref<10112x128xf32, #tpu.memory_space<vmem_shared>> -> memref<632x128xf32, #tpu.memory_space<vmem_shared>>
      tpu.wait_dma2 semaphore(%run_scoped3A : memref<!tpu.dma_semaphore, #tpu.memory_space<semaphore_mem>>) src(%dma_wait3A_42 : memref<632x128xf32, #tpu.memory_space<vmem_shared>>) dst(%dma_wait3A_40 : memref<632x128xf32, #tpu.memory_space<hbm>>)
      tpu.yield
    }) : () -> ()
    return
  }
}

#map = affine_map<(d0, d1) -> (0, 0, 0)>
#map1 = affine_map<(d0, d1) -> (0, 0)>
module attributes {stable_mosaic.version = 14 : i64} {
  func.func @_sc_deg_body(%arg0: i32, %arg1: i32, %arg2: memref<32x80x125xi32, #tpu.memory_space<hbm>>, %arg3: memref<632x16xf32, #tpu.memory_space<hbm>>, %arg4: memref<125x16xf32, #tpu.memory_space<hbm>>, %arg5: memref<2x10112x16xf32, #tpu.memory_space<hbm>>, %arg6: memref<80x125xi32, #tpu.memory_space<vmem>>, %arg7: memref<125x16xf32, #tpu.memory_space<vmem>>, %arg8: memref<10112x16xf32, #tpu.memory_space<vmem_shared>>, %arg9: memref<!tpu.dma_semaphore, #tpu.memory_space<semaphore_mem>>) attributes {dimension_semantics = [#tpu.dimension_semantics<core_parallel>, #tpu.dimension_semantics<subcore_parallel>], iteration_bounds = array<i64: 2, 16>, scalar_prefetch = 0 : i64, scratch_operands = 4 : i64, tpu.core_type = #tpu.core_type<sc_vector_subcore>, window_params = [{transform_indices = #map}, {transform_indices = #map1}, {transform_indices = #map1}, {transform_indices = #map}]} {
    %mul3A = arith.constant 16 : i32
    %mul3A_0 = arith.muli %arg0, %mul3A : i32
    %add3A = arith.addi %mul3A_0, %arg1 : i32
    "tpu.region"() ({
      %run_scoped3A = tpu.sem_alloc : memref<!tpu.dma_semaphore, #tpu.memory_space<semaphore_mem>>
      %dma_start3A = arith.constant 0 : i32
      %dma_start3A_15 = arith.constant 0 : i32
      %dma_start3A_16 = tpu.memref_slice %arg2[%add3A, %dma_start3A, %dma_start3A_15] : memref<32x80x125xi32, #tpu.memory_space<hbm>> -> memref<1x80x125xi32, #tpu.memory_space<hbm>>
      %dma_start3A_17 = tpu.memref_squeeze %dma_start3A_16 : memref<1x80x125xi32, #tpu.memory_space<hbm>> -> memref<80x125xi32, #tpu.memory_space<hbm>>
      %dma_start3A_18 = arith.constant 0 : i32
      %dma_start3A_19 = arith.constant 0 : i32
      %dma_start3A_20 = tpu.memref_slice %arg2[%add3A, %dma_start3A_18, %dma_start3A_19] : memref<32x80x125xi32, #tpu.memory_space<hbm>> -> memref<1x80x125xi32, #tpu.memory_space<hbm>>
      %dma_start3A_21 = tpu.memref_squeeze %dma_start3A_20 : memref<1x80x125xi32, #tpu.memory_space<hbm>> -> memref<80x125xi32, #tpu.memory_space<hbm>>
      tpu.enqueue_dma source(%dma_start3A_21 : memref<80x125xi32, #tpu.memory_space<hbm>>) target(%arg6 : memref<80x125xi32, #tpu.memory_space<vmem>>) target_semaphore(%run_scoped3A : memref<!tpu.dma_semaphore, #tpu.memory_space<semaphore_mem>>)
      %dma_wait3A = arith.constant 0 : i32
      %dma_wait3A_22 = arith.constant 0 : i32
      %dma_wait3A_23 = tpu.memref_slice %arg2[%add3A, %dma_wait3A, %dma_wait3A_22] : memref<32x80x125xi32, #tpu.memory_space<hbm>> -> memref<1x80x125xi32, #tpu.memory_space<hbm>>
      %dma_wait3A_24 = tpu.memref_squeeze %dma_wait3A_23 : memref<1x80x125xi32, #tpu.memory_space<hbm>> -> memref<80x125xi32, #tpu.memory_space<hbm>>
      %dma_wait3A_25 = arith.constant 0 : i32
      %dma_wait3A_26 = arith.constant 0 : i32
      %dma_wait3A_27 = tpu.memref_slice %arg2[%add3A, %dma_wait3A_25, %dma_wait3A_26] : memref<32x80x125xi32, #tpu.memory_space<hbm>> -> memref<1x80x125xi32, #tpu.memory_space<hbm>>
      %dma_wait3A_28 = tpu.memref_squeeze %dma_wait3A_27 : memref<1x80x125xi32, #tpu.memory_space<hbm>> -> memref<80x125xi32, #tpu.memory_space<hbm>>
      tpu.wait_dma2 semaphore(%run_scoped3A : memref<!tpu.dma_semaphore, #tpu.memory_space<semaphore_mem>>) src(%dma_wait3A_28 : memref<80x125xi32, #tpu.memory_space<hbm>>) dst(%arg6 : memref<80x125xi32, #tpu.memory_space<vmem>>)
      tpu.yield
    }) : () -> ()
    "tpu.region"() ({
      %run_scoped3A = tpu.sem_alloc : memref<!tpu.dma_semaphore, #tpu.memory_space<semaphore_mem>>
      tpu.enqueue_dma source(%arg4 : memref<125x16xf32, #tpu.memory_space<hbm>>) target(%arg7 : memref<125x16xf32, #tpu.memory_space<vmem>>) target_semaphore(%run_scoped3A : memref<!tpu.dma_semaphore, #tpu.memory_space<semaphore_mem>>)
      tpu.wait_dma2 semaphore(%run_scoped3A : memref<!tpu.dma_semaphore, #tpu.memory_space<semaphore_mem>>) src(%arg4 : memref<125x16xf32, #tpu.memory_space<hbm>>) dst(%arg7 : memref<125x16xf32, #tpu.memory_space<vmem>>)
      tpu.yield
    }) : () -> ()
    %mul3A_1 = arith.constant 632 : i32
    %mul3A_2 = arith.muli %arg1, %mul3A_1 : i32
    "tpu.region"() ({
      %run_scoped3A = tpu.sem_alloc : memref<!tpu.dma_semaphore, #tpu.memory_space<semaphore_mem>>
      %dma_start3A = arith.constant 0 : i32
      %dma_start3A_15 = tpu.memref_slice %arg8[%mul3A_2, %dma_start3A] : memref<10112x16xf32, #tpu.memory_space<vmem_shared>> -> memref<632x16xf32, #tpu.memory_space<vmem_shared>>
      tpu.enqueue_dma source(%arg3 : memref<632x16xf32, #tpu.memory_space<hbm>>) target(%dma_start3A_15 : memref<632x16xf32, #tpu.memory_space<vmem_shared>>) target_semaphore(%run_scoped3A : memref<!tpu.dma_semaphore, #tpu.memory_space<semaphore_mem>>)
      %dma_wait3A = arith.constant 0 : i32
      %dma_wait3A_16 = tpu.memref_slice %arg8[%mul3A_2, %dma_wait3A] : memref<10112x16xf32, #tpu.memory_space<vmem_shared>> -> memref<632x16xf32, #tpu.memory_space<vmem_shared>>
      tpu.wait_dma2 semaphore(%run_scoped3A : memref<!tpu.dma_semaphore, #tpu.memory_space<semaphore_mem>>) src(%arg3 : memref<632x16xf32, #tpu.memory_space<hbm>>) dst(%dma_wait3A_16 : memref<632x16xf32, #tpu.memory_space<vmem_shared>>)
      tpu.yield
    }) : () -> ()
    %barrier3A = arith.constant 0 : index
    tpu.barrier barrier_id(%barrier3A)
    %scan3A = arith.constant 0 : i32
    %scan3A_3 = arith.constant 0 : i32
    %scan3A_4 = arith.constant 80 : i32
    %scan3A_5 = arith.addi %scan3A_3, %scan3A_4 : i32
    %scan3A_6 = arith.constant 1 : i32
    scf.for %scan3A_15 = %scan3A_3 to %scan3A_5 step %scan3A_6  : i32 {
      %dma_start3A = arith.constant 0 : i32
      %dma_start3A_16 = tpu.memref_slice %arg6[%scan3A_15, %dma_start3A] : memref<80x125xi32, #tpu.memory_space<vmem>> -> memref<1x125xi32, #tpu.memory_space<vmem>>
      %dma_start3A_17 = tpu.memref_squeeze %dma_start3A_16 : memref<1x125xi32, #tpu.memory_space<vmem>> -> memref<125xi32, #tpu.memory_space<vmem>>
      %dma_start3A_18 = arith.constant 0 : i32
      %dma_start3A_19 = arith.constant 0 : i32
      %dma_start3A_20 = tpu.memref_slice %arg8[%dma_start3A_18, %dma_start3A_19] : memref<10112x16xf32, #tpu.memory_space<vmem_shared>> -> memref<10112x16xf32, #tpu.memory_space<vmem_shared>>
      tpu.enqueue_indirect_dma source(%arg7 : memref<125x16xf32, #tpu.memory_space<vmem>>) target(%dma_start3A_20 : memref<10112x16xf32, #tpu.memory_space<vmem_shared>>) offsets(%dma_start3A_17 : memref<125xi32, #tpu.memory_space<vmem>>) semaphore(%arg9 : memref<!tpu.dma_semaphore, #tpu.memory_space<semaphore_mem>>) {add = true}
    }
    %scan3A_7 = arith.constant 80 : i32
    %scan3A_8 = arith.constant 0 : i32
    %scan3A_9 = arith.constant 0 : i32
    %scan3A_10 = arith.constant 80 : i32
    %scan3A_11 = arith.addi %scan3A_9, %scan3A_10 : i32
    %scan3A_12 = arith.constant 1 : i32
    scf.for %scan3A_15 = %scan3A_9 to %scan3A_11 step %scan3A_12  : i32 {
      %dma_wait3A = arith.constant 0 : i32
      %dma_wait3A_16 = tpu.memref_slice %arg6[%scan3A_15, %dma_wait3A] : memref<80x125xi32, #tpu.memory_space<vmem>> -> memref<1x125xi32, #tpu.memory_space<vmem>>
      %dma_wait3A_17 = tpu.memref_squeeze %dma_wait3A_16 : memref<1x125xi32, #tpu.memory_space<vmem>> -> memref<125xi32, #tpu.memory_space<vmem>>
      %dma_wait3A_18 = arith.constant 0 : i32
      %dma_wait3A_19 = arith.constant 0 : i32
      %dma_wait3A_20 = tpu.memref_slice %arg8[%dma_wait3A_18, %dma_wait3A_19] : memref<10112x16xf32, #tpu.memory_space<vmem_shared>> -> memref<10112x16xf32, #tpu.memory_space<vmem_shared>>
      tpu.wait_indirect_dma semaphore(%arg9 : memref<!tpu.dma_semaphore, #tpu.memory_space<semaphore_mem>>) src(%arg7 : memref<125x16xf32, #tpu.memory_space<vmem>>) dst(%dma_wait3A_20 : memref<10112x16xf32, #tpu.memory_space<vmem_shared>>)
    }
    %scan3A_13 = arith.constant 80 : i32
    %barrier3A_14 = arith.constant 0 : index
    tpu.barrier barrier_id(%barrier3A_14)
    "tpu.region"() ({
      %run_scoped3A = tpu.sem_alloc : memref<!tpu.dma_semaphore, #tpu.memory_space<semaphore_mem>>
      %dma_start3A = arith.constant 0 : i32
      %dma_start3A_15 = arith.constant 0 : i32
      %dma_start3A_16 = tpu.memref_slice %arg5[%arg0, %dma_start3A, %dma_start3A_15] : memref<2x10112x16xf32, #tpu.memory_space<hbm>> -> memref<1x10112x16xf32, #tpu.memory_space<hbm>>
      %dma_start3A_17 = tpu.memref_squeeze %dma_start3A_16 : memref<1x10112x16xf32, #tpu.memory_space<hbm>> -> memref<10112x16xf32, #tpu.memory_space<hbm>>
      %dma_start3A_18 = arith.constant 0 : i32
      %dma_start3A_19 = tpu.memref_slice %dma_start3A_17[%mul3A_2, %dma_start3A_18] : memref<10112x16xf32, #tpu.memory_space<hbm>> -> memref<632x16xf32, #tpu.memory_space<hbm>>
      %dma_start3A_20 = arith.constant 0 : i32
      %dma_start3A_21 = tpu.memref_slice %arg8[%mul3A_2, %dma_start3A_20] : memref<10112x16xf32, #tpu.memory_space<vmem_shared>> -> memref<632x16xf32, #tpu.memory_space<vmem_shared>>
      tpu.enqueue_dma source(%dma_start3A_21 : memref<632x16xf32, #tpu.memory_space<vmem_shared>>) target(%dma_start3A_19 : memref<632x16xf32, #tpu.memory_space<hbm>>) target_semaphore(%run_scoped3A : memref<!tpu.dma_semaphore, #tpu.memory_space<semaphore_mem>>)
      %dma_wait3A = arith.constant 0 : i32
      %dma_wait3A_22 = arith.constant 0 : i32
      %dma_wait3A_23 = tpu.memref_slice %arg5[%arg0, %dma_wait3A, %dma_wait3A_22] : memref<2x10112x16xf32, #tpu.memory_space<hbm>> -> memref<1x10112x16xf32, #tpu.memory_space<hbm>>
      %dma_wait3A_24 = tpu.memref_squeeze %dma_wait3A_23 : memref<1x10112x16xf32, #tpu.memory_space<hbm>> -> memref<10112x16xf32, #tpu.memory_space<hbm>>
      %dma_wait3A_25 = arith.constant 0 : i32
      %dma_wait3A_26 = tpu.memref_slice %dma_wait3A_24[%mul3A_2, %dma_wait3A_25] : memref<10112x16xf32, #tpu.memory_space<hbm>> -> memref<632x16xf32, #tpu.memory_space<hbm>>
      %dma_wait3A_27 = arith.constant 0 : i32
      %dma_wait3A_28 = tpu.memref_slice %arg8[%mul3A_2, %dma_wait3A_27] : memref<10112x16xf32, #tpu.memory_space<vmem_shared>> -> memref<632x16xf32, #tpu.memory_space<vmem_shared>>
      tpu.wait_dma2 semaphore(%run_scoped3A : memref<!tpu.dma_semaphore, #tpu.memory_space<semaphore_mem>>) src(%dma_wait3A_28 : memref<632x16xf32, #tpu.memory_space<vmem_shared>>) dst(%dma_wait3A_26 : memref<632x16xf32, #tpu.memory_space<hbm>>)
      tpu.yield
    }) : () -> ()
    return
  }
}

module attributes {stable_mosaic.version = 14 : i64} {
  func.func @_tc_layer_body(%arg0: i32, %arg1: memref<1000x128xf32, #tpu.memory_space<vmem>>, %arg2: memref<2x1000x128xf32, #tpu.memory_space<vmem>>, %arg3: memref<2x1000x16xf32, #tpu.memory_space<vmem>>, %arg4: memref<128x128xf32, #tpu.memory_space<vmem>>, %arg5: memref<128x128xf32, #tpu.memory_space<vmem>>, %arg6: memref<1x128xf32, #tpu.memory_space<vmem>>, %arg7: memref<1000x128xf32, #tpu.memory_space<vmem>>) attributes {dimension_semantics = [#tpu.dimension_semantics<arbitrary>], iteration_bounds = array<i64: 10>, scalar_prefetch = 0 : i64, scratch_operands = 0 : i64, tpu.core_type = #tpu.core_type<tc>, window_params = [{transform_indices = @transform_0, window_bounds = array<i64: 1000, 128>}, {transform_indices = @transform_1, window_bounds = array<i64: 2, 1000, 128>}, {transform_indices = @transform_2, window_bounds = array<i64: 2, 1000, 16>}, {pipeline_mode = #tpu.pipeline_mode<synchronous>, transform_indices = @transform_3, window_bounds = array<i64: 128, 128>}, {pipeline_mode = #tpu.pipeline_mode<synchronous>, transform_indices = @transform_4, window_bounds = array<i64: 128, 128>}, {pipeline_mode = #tpu.pipeline_mode<synchronous>, transform_indices = @transform_5, window_bounds = array<i64: 1, 128>}, {transform_indices = @transform_6, window_bounds = array<i64: 1000, 128>}]} {
    %get3A = arith.constant 0 : index
    %get3A_0 = arith.constant 0 : index
    %get3A_1 = arith.constant 0 : index
    %get3A_2 = vector.load %arg3[%get3A, %get3A_0, %get3A_1] : memref<2x1000x16xf32, #tpu.memory_space<vmem>>, vector<1x1000x1xf32>
    %get3A_3 = vector.shape_cast %get3A_2 : vector<1x1000x1xf32> to vector<1000x1xf32>
    %get3A_4 = arith.constant 1 : index
    %get3A_5 = arith.constant 0 : index
    %get3A_6 = arith.constant 0 : index
    %get3A_7 = vector.load %arg3[%get3A_4, %get3A_5, %get3A_6] : memref<2x1000x16xf32, #tpu.memory_space<vmem>>, vector<1x1000x1xf32>
    %get3A_8 = vector.shape_cast %get3A_7 : vector<1x1000x1xf32> to vector<1000x1xf32>
    %add3A = arith.addf %get3A_3, %get3A_8 : vector<1000x1xf32>
    %get3A_9 = arith.constant 0 : index
    %get3A_10 = arith.constant 0 : index
    %get3A_11 = arith.constant 0 : index
    %get3A_12 = vector.load %arg2[%get3A_9, %get3A_10, %get3A_11] : memref<2x1000x128xf32, #tpu.memory_space<vmem>>, vector<1x1000x128xf32>
    %get3A_13 = vector.shape_cast %get3A_12 : vector<1x1000x128xf32> to vector<1000x128xf32>
    %get3A_14 = arith.constant 1 : index
    %get3A_15 = arith.constant 0 : index
    %get3A_16 = arith.constant 0 : index
    %get3A_17 = vector.load %arg2[%get3A_14, %get3A_15, %get3A_16] : memref<2x1000x128xf32, #tpu.memory_space<vmem>>, vector<1x1000x128xf32>
    %get3A_18 = vector.shape_cast %get3A_17 : vector<1x1000x128xf32> to vector<1000x128xf32>
    %add3A_19 = arith.addf %get3A_13, %get3A_18 : vector<1000x128xf32>
    %max3A = arith.constant 1.000000e+00 : f32
    %max3A_20 = vector.broadcast %max3A : f32 to vector<1000x1xf32>
    %max3A_21 = arith.maximumf %add3A, %max3A_20 : vector<1000x1xf32>
    %div3A = vector.broadcast %max3A_21 : vector<1000x1xf32> to vector<1000x128xf32>
    %div3A_22 = arith.divf %add3A_19, %div3A : vector<1000x128xf32>
    %get3A_23 = arith.constant 0 : index
    %get3A_24 = arith.constant 0 : index
    %get3A_25 = vector.load %arg1[%get3A_23, %get3A_24] : memref<1000x128xf32, #tpu.memory_space<vmem>>, vector<1000x128xf32>
    %get3A_26 = arith.constant 0 : index
    %get3A_27 = arith.constant 0 : index
    %get3A_28 = vector.load %arg4[%get3A_26, %get3A_27] : memref<128x128xf32, #tpu.memory_space<vmem>>, vector<128x128xf32>
    %dot_general3A = arith.constant dense<0.000000e+00> : vector<1000x128xf32>
    %dot_general3A_29 = tpu.matmul %get3A_25, %get3A_28, %dot_general3A {dimension_numbers = #tpu.dot_dimension_numbers<[1], [0], [0], [1], [0, 0, 1, 1], [], []>, transpose_lhs_hint = false} : vector<1000x128xf32>, vector<128x128xf32>, vector<1000x128xf32> -> vector<1000x128xf32>
    %get3A_30 = arith.constant 0 : index
    %get3A_31 = arith.constant 0 : index
    %get3A_32 = vector.load %arg5[%get3A_30, %get3A_31] : memref<128x128xf32, #tpu.memory_space<vmem>>, vector<128x128xf32>
    %dot_general3A_33 = arith.constant dense<0.000000e+00> : vector<1000x128xf32>
    %dot_general3A_34 = tpu.matmul %div3A_22, %get3A_32, %dot_general3A_33 {dimension_numbers = #tpu.dot_dimension_numbers<[1], [0], [0], [1], [0, 0, 1, 1], [], []>, transpose_lhs_hint = false} : vector<1000x128xf32>, vector<128x128xf32>, vector<1000x128xf32> -> vector<1000x128xf32>
    %add3A_35 = arith.addf %dot_general3A_29, %dot_general3A_34 : vector<1000x128xf32>
    %get3A_36 = arith.constant 0 : index
    %get3A_37 = arith.constant 0 : index
    %get3A_38 = vector.load %arg6[%get3A_36, %get3A_37] : memref<1x128xf32, #tpu.memory_space<vmem>>, vector<1x128xf32>
    %add3A_39 = vector.broadcast %get3A_38 : vector<1x128xf32> to vector<1000x128xf32>
    %add3A_40 = arith.addf %add3A_35, %add3A_39 : vector<1000x128xf32>
    %max3A_41 = arith.constant 0.000000e+00 : f32
    %max3A_42 = vector.broadcast %max3A_41 : f32 to vector<1000x128xf32>
    %max3A_43 = arith.maximumf %add3A_40, %max3A_42 : vector<1000x128xf32>
    %swap3A = arith.constant 0 : index
    %swap3A_44 = arith.constant 0 : index
    %swap3A_45 = vector.load %arg7[%swap3A, %swap3A_44] : memref<1000x128xf32, #tpu.memory_space<vmem>>, vector<1000x128xf32>
    tpu.vector_store %arg7[%swap3A, %swap3A_44], %max3A_43 {strides = array<i32>} : memref<1000x128xf32, #tpu.memory_space<vmem>>, vector<1000x128xf32>,
    return
  }
  func.func @transform_0(%arg0: i32) -> (i32, i32) {
    %c0_i32 = arith.constant 0 : i32
    %c0_i32_0 = arith.constant 0 : i32
    return %arg0, %c0_i32 : i32, i32
  }
  func.func @transform_1(%arg0: i32) -> (i32, i32, i32) {
    %c0_i32 = arith.constant 0 : i32
    %c0_i32_0 = arith.constant 0 : i32
    %c0_i32_1 = arith.constant 0 : i32
    return %c0_i32, %arg0, %c0_i32_0 : i32, i32, i32
  }
  func.func @transform_2(%arg0: i32) -> (i32, i32, i32) {
    %c0_i32 = arith.constant 0 : i32
    %c0_i32_0 = arith.constant 0 : i32
    %c0_i32_1 = arith.constant 0 : i32
    return %c0_i32, %arg0, %c0_i32_0 : i32, i32, i32
  }
  func.func @transform_3(%arg0: i32) -> (i32, i32) {
    %c0_i32 = arith.constant 0 : i32
    %c0_i32_0 = arith.constant 0 : i32
    %c0_i32_1 = arith.constant 0 : i32
    return %c0_i32, %c0_i32_0 : i32, i32
  }
  func.func @transform_4(%arg0: i32) -> (i32, i32) {
    %c0_i32 = arith.constant 0 : i32
    %c0_i32_0 = arith.constant 0 : i32
    %c0_i32_1 = arith.constant 0 : i32
    return %c0_i32, %c0_i32_0 : i32, i32
  }
  func.func @transform_5(%arg0: i32) -> (i32, i32) {
    %c0_i32 = arith.constant 0 : i32
    %c0_i32_0 = arith.constant 0 : i32
    %c0_i32_1 = arith.constant 0 : i32
    return %c0_i32, %c0_i32_0 : i32, i32
  }
  func.func @transform_6(%arg0: i32) -> (i32, i32) {
    %c0_i32 = arith.constant 0 : i32
    %c0_i32_0 = arith.constant 0 : i32
    return %arg0, %c0_i32 : i32, i32
  }
}

module attributes {stable_mosaic.version = 14 : i64} {
  func.func @_tc_final_body(%arg0: i32, %arg1: memref<1000x128xf32, #tpu.memory_space<vmem>>, %arg2: memref<2x1000x128xf32, #tpu.memory_space<vmem>>, %arg3: memref<2x1000x16xf32, #tpu.memory_space<vmem>>, %arg4: memref<128x128xf32, #tpu.memory_space<vmem>>, %arg5: memref<128x128xf32, #tpu.memory_space<vmem>>, %arg6: memref<1x128xf32, #tpu.memory_space<vmem>>, %arg7: memref<128x128xf32, #tpu.memory_space<vmem>>, %arg8: memref<1x128xf32, #tpu.memory_space<vmem>>, %arg9: memref<1x128xf32, #tpu.memory_space<vmem>>, %arg10: memref<1x128xf32, #tpu.memory_space<vmem>>) attributes {dimension_semantics = [#tpu.dimension_semantics<arbitrary>], iteration_bounds = array<i64: 10>, scalar_prefetch = 0 : i64, scratch_operands = 1 : i64, tpu.core_type = #tpu.core_type<tc>, window_params = [{transform_indices = @transform_0, window_bounds = array<i64: 1000, 128>}, {transform_indices = @transform_1, window_bounds = array<i64: 2, 1000, 128>}, {transform_indices = @transform_2, window_bounds = array<i64: 2, 1000, 16>}, {pipeline_mode = #tpu.pipeline_mode<synchronous>, transform_indices = @transform_3, window_bounds = array<i64: 128, 128>}, {pipeline_mode = #tpu.pipeline_mode<synchronous>, transform_indices = @transform_4, window_bounds = array<i64: 128, 128>}, {pipeline_mode = #tpu.pipeline_mode<synchronous>, transform_indices = @transform_5, window_bounds = array<i64: 1, 128>}, {pipeline_mode = #tpu.pipeline_mode<synchronous>, transform_indices = @transform_6, window_bounds = array<i64: 128, 128>}, {pipeline_mode = #tpu.pipeline_mode<synchronous>, transform_indices = @transform_7, window_bounds = array<i64: 1, 128>}, {pipeline_mode = #tpu.pipeline_mode<synchronous>, transform_indices = @transform_8, window_bounds = array<i64: 1, 128>}]} {
    %get3A = arith.constant 0 : index
    %get3A_0 = arith.constant 0 : index
    %get3A_1 = arith.constant 0 : index
    %get3A_2 = vector.load %arg3[%get3A, %get3A_0, %get3A_1] : memref<2x1000x16xf32, #tpu.memory_space<vmem>>, vector<1x1000x1xf32>
    %get3A_3 = vector.shape_cast %get3A_2 : vector<1x1000x1xf32> to vector<1000x1xf32>
    %get3A_4 = arith.constant 1 : index
    %get3A_5 = arith.constant 0 : index
    %get3A_6 = arith.constant 0 : index
    %get3A_7 = vector.load %arg3[%get3A_4, %get3A_5, %get3A_6] : memref<2x1000x16xf32, #tpu.memory_space<vmem>>, vector<1x1000x1xf32>
    %get3A_8 = vector.shape_cast %get3A_7 : vector<1x1000x1xf32> to vector<1000x1xf32>
    %add3A = arith.addf %get3A_3, %get3A_8 : vector<1000x1xf32>
    %get3A_9 = arith.constant 0 : index
    %get3A_10 = arith.constant 0 : index
    %get3A_11 = arith.constant 0 : index
    %get3A_12 = vector.load %arg2[%get3A_9, %get3A_10, %get3A_11] : memref<2x1000x128xf32, #tpu.memory_space<vmem>>, vector<1x1000x128xf32>
    %get3A_13 = vector.shape_cast %get3A_12 : vector<1x1000x128xf32> to vector<1000x128xf32>
    %get3A_14 = arith.constant 1 : index
    %get3A_15 = arith.constant 0 : index
    %get3A_16 = arith.constant 0 : index
    %get3A_17 = vector.load %arg2[%get3A_14, %get3A_15, %get3A_16] : memref<2x1000x128xf32, #tpu.memory_space<vmem>>, vector<1x1000x128xf32>
    %get3A_18 = vector.shape_cast %get3A_17 : vector<1x1000x128xf32> to vector<1000x128xf32>
    %add3A_19 = arith.addf %get3A_13, %get3A_18 : vector<1000x128xf32>
    %max3A = arith.constant 1.000000e+00 : f32
    %max3A_20 = vector.broadcast %max3A : f32 to vector<1000x1xf32>
    %max3A_21 = arith.maximumf %add3A, %max3A_20 : vector<1000x1xf32>
    %div3A = vector.broadcast %max3A_21 : vector<1000x1xf32> to vector<1000x128xf32>
    %div3A_22 = arith.divf %add3A_19, %div3A : vector<1000x128xf32>
    %get3A_23 = arith.constant 0 : index
    %get3A_24 = arith.constant 0 : index
    %get3A_25 = vector.load %arg1[%get3A_23, %get3A_24] : memref<1000x128xf32, #tpu.memory_space<vmem>>, vector<1000x128xf32>
    %get3A_26 = arith.constant 0 : index
    %get3A_27 = arith.constant 0 : index
    %get3A_28 = vector.load %arg4[%get3A_26, %get3A_27] : memref<128x128xf32, #tpu.memory_space<vmem>>, vector<128x128xf32>
    %dot_general3A = arith.constant dense<0.000000e+00> : vector<1000x128xf32>
    %dot_general3A_29 = tpu.matmul %get3A_25, %get3A_28, %dot_general3A {dimension_numbers = #tpu.dot_dimension_numbers<[1], [0], [0], [1], [0, 0, 1, 1], [], []>, transpose_lhs_hint = false} : vector<1000x128xf32>, vector<128x128xf32>, vector<1000x128xf32> -> vector<1000x128xf32>
    %get3A_30 = arith.constant 0 : index
    %get3A_31 = arith.constant 0 : index
    %get3A_32 = vector.load %arg5[%get3A_30, %get3A_31] : memref<128x128xf32, #tpu.memory_space<vmem>>, vector<128x128xf32>
    %dot_general3A_33 = arith.constant dense<0.000000e+00> : vector<1000x128xf32>
    %dot_general3A_34 = tpu.matmul %div3A_22, %get3A_32, %dot_general3A_33 {dimension_numbers = #tpu.dot_dimension_numbers<[1], [0], [0], [1], [0, 0, 1, 1], [], []>, transpose_lhs_hint = false} : vector<1000x128xf32>, vector<128x128xf32>, vector<1000x128xf32> -> vector<1000x128xf32>
    %add3A_35 = arith.addf %dot_general3A_29, %dot_general3A_34 : vector<1000x128xf32>
    %get3A_36 = arith.constant 0 : index
    %get3A_37 = arith.constant 0 : index
    %get3A_38 = vector.load %arg6[%get3A_36, %get3A_37] : memref<1x128xf32, #tpu.memory_space<vmem>>, vector<1x128xf32>
    %add3A_39 = vector.broadcast %get3A_38 : vector<1x128xf32> to vector<1000x128xf32>
    %add3A_40 = arith.addf %add3A_35, %add3A_39 : vector<1000x128xf32>
    %max3A_41 = arith.constant 0.000000e+00 : f32
    %max3A_42 = vector.broadcast %max3A_41 : f32 to vector<1000x128xf32>
    %max3A_43 = arith.maximumf %add3A_40, %max3A_42 : vector<1000x128xf32>
    %eq3A = arith.constant 0 : i32
    %eq3A_44 = arith.cmpi eq, %arg0, %eq3A : i32
    %convert_element_type3A = arith.extui %eq3A_44 : i1 to i32
    %cond3A = arith.constant 0 : i32
    %cond3A_45 = arith.cmpi ne, %convert_element_type3A, %cond3A : i32
    scf.if %cond3A_45 {
      %broadcast_in_dim3A_58 = arith.constant 0.000000e+00 : f32
      %broadcast_in_dim3A_59 = vector.broadcast %broadcast_in_dim3A_58 : f32 to vector<1x128xf32>
      %swap3A_60 = arith.constant 0 : index
      %swap3A_61 = arith.constant 0 : index
      %swap3A_62 = vector.load %arg10[%swap3A_60, %swap3A_61] : memref<1x128xf32, #tpu.memory_space<vmem>>, vector<1x128xf32>
      tpu.vector_store %arg10[%swap3A_60, %swap3A_61], %broadcast_in_dim3A_59 {strides = array<i32>} : memref<1x128xf32, #tpu.memory_space<vmem>>, vector<1x128xf32>,
    } else {
    }
    %get3A_46 = arith.constant 0 : index
    %get3A_47 = arith.constant 0 : index
    %get3A_48 = vector.load %arg10[%get3A_46, %get3A_47] : memref<1x128xf32, #tpu.memory_space<vmem>>, vector<1x128xf32>
    %reduce_sum3A = arith.constant dense<0.000000e+00> : vector<128xf32>
    %reduce_sum3A_49 = vector.multi_reduction <add>, %max3A_43, %reduce_sum3A [0] : vector<1000x128xf32> to vector<128xf32>
    %broadcast_in_dim3A = vector.shape_cast %reduce_sum3A_49 : vector<128xf32> to vector<1x128xf32>
    %add3A_50 = arith.addf %get3A_48, %broadcast_in_dim3A : vector<1x128xf32>
    %swap3A = arith.constant 0 : index
    %swap3A_51 = arith.constant 0 : index
    %swap3A_52 = vector.load %arg10[%swap3A, %swap3A_51] : memref<1x128xf32, #tpu.memory_space<vmem>>, vector<1x128xf32>
    tpu.vector_store %arg10[%swap3A, %swap3A_51], %add3A_50 {strides = array<i32>} : memref<1x128xf32, #tpu.memory_space<vmem>>, vector<1x128xf32>,
    %eq3A_53 = arith.constant 9 : i32
    %eq3A_54 = arith.cmpi eq, %arg0, %eq3A_53 : i32
    %convert_element_type3A_55 = arith.extui %eq3A_54 : i1 to i32
    %cond3A_56 = arith.constant 0 : i32
    %cond3A_57 = arith.cmpi ne, %convert_element_type3A_55, %cond3A_56 : i32
    scf.if %cond3A_57 {
      %get3A_58 = arith.constant 0 : index
      %get3A_59 = arith.constant 0 : index
      %get3A_60 = vector.load %arg10[%get3A_58, %get3A_59] : memref<1x128xf32, #tpu.memory_space<vmem>>, vector<1x128xf32>
      %mul3A = arith.constant 9.99999974E-5 : f32
      %mul3A_61 = vector.broadcast %mul3A : f32 to vector<1x128xf32>
      %mul3A_62 = arith.mulf %get3A_60, %mul3A_61 : vector<1x128xf32>
      %get3A_63 = arith.constant 0 : index
      %get3A_64 = arith.constant 0 : index
      %get3A_65 = vector.load %arg7[%get3A_63, %get3A_64] : memref<128x128xf32, #tpu.memory_space<vmem>>, vector<128x128xf32>
      %dot_general3A_66 = arith.constant dense<0.000000e+00> : vector<1x128xf32>
      %dot_general3A_67 = tpu.matmul %mul3A_62, %get3A_65, %dot_general3A_66 {dimension_numbers = #tpu.dot_dimension_numbers<[1], [0], [0], [1], [0, 0, 1, 1], [], []>, transpose_lhs_hint = false} : vector<1x128xf32>, vector<128x128xf32>, vector<1x128xf32> -> vector<1x128xf32>
      %get3A_68 = arith.constant 0 : index
      %get3A_69 = arith.constant 0 : index
      %get3A_70 = vector.load %arg8[%get3A_68, %get3A_69] : memref<1x128xf32, #tpu.memory_space<vmem>>, vector<1x128xf32>
      %add3A_71 = arith.addf %dot_general3A_67, %get3A_70 : vector<1x128xf32>
      %swap3A_72 = arith.constant 0 : index
      %swap3A_73 = arith.constant 0 : index
      %swap3A_74 = vector.load %arg9[%swap3A_72, %swap3A_73] : memref<1x128xf32, #tpu.memory_space<vmem>>, vector<1x128xf32>
      tpu.vector_store %arg9[%swap3A_72, %swap3A_73], %add3A_71 {strides = array<i32>} : memref<1x128xf32, #tpu.memory_space<vmem>>, vector<1x128xf32>,
    } else {
    }
    return
  }
  func.func @transform_0(%arg0: i32) -> (i32, i32) {
    %c0_i32 = arith.constant 0 : i32
    %c0_i32_0 = arith.constant 0 : i32
    return %arg0, %c0_i32 : i32, i32
  }
  func.func @transform_1(%arg0: i32) -> (i32, i32, i32) {
    %c0_i32 = arith.constant 0 : i32
    %c0_i32_0 = arith.constant 0 : i32
    %c0_i32_1 = arith.constant 0 : i32
    return %c0_i32, %arg0, %c0_i32_0 : i32, i32, i32
  }
  func.func @transform_2(%arg0: i32) -> (i32, i32, i32) {
    %c0_i32 = arith.constant 0 : i32
    %c0_i32_0 = arith.constant 0 : i32
    %c0_i32_1 = arith.constant 0 : i32
    return %c0_i32, %arg0, %c0_i32_0 : i32, i32, i32
  }
  func.func @transform_3(%arg0: i32) -> (i32, i32) {
    %c0_i32 = arith.constant 0 : i32
    %c0_i32_0 = arith.constant 0 : i32
    %c0_i32_1 = arith.constant 0 : i32
    return %c0_i32, %c0_i32_0 : i32, i32
  }
  func.func @transform_4(%arg0: i32) -> (i32, i32) {
    %c0_i32 = arith.constant 0 : i32
    %c0_i32_0 = arith.constant 0 : i32
    %c0_i32_1 = arith.constant 0 : i32
    return %c0_i32, %c0_i32_0 : i32, i32
  }
  func.func @transform_5(%arg0: i32) -> (i32, i32) {
    %c0_i32 = arith.constant 0 : i32
    %c0_i32_0 = arith.constant 0 : i32
    %c0_i32_1 = arith.constant 0 : i32
    return %c0_i32, %c0_i32_0 : i32, i32
  }
  func.func @transform_6(%arg0: i32) -> (i32, i32) {
    %c0_i32 = arith.constant 0 : i32
    %c0_i32_0 = arith.constant 0 : i32
    %c0_i32_1 = arith.constant 0 : i32
    return %c0_i32, %c0_i32_0 : i32, i32
  }
  func.func @transform_7(%arg0: i32) -> (i32, i32) {
    %c0_i32 = arith.constant 0 : i32
    %c0_i32_0 = arith.constant 0 : i32
    %c0_i32_1 = arith.constant 0 : i32
    return %c0_i32, %c0_i32_0 : i32, i32
  }
  func.func @transform_8(%arg0: i32) -> (i32, i32) {
    %c0_i32 = arith.constant 0 : i32
    %c0_i32_0 = arith.constant 0 : i32
    %c0_i32_1 = arith.constant 0 : i32
    return %c0_i32, %c0_i32_0 : i32, i32
  }
}

</mosaic_0001>

<sc_bundles>
// kernel: kernel.10.cloned.1.call-start
scs
__scs_entry_jumppad:
0x0: {  	(pc) =	sbr.rel $0x88, $3  }
0x1: {  	(tag) =	ssettag $0x0;
	lr =	simm.s32 $0x1  }
0x2: {  	[smem:$0x3F97] =	sst lr;
	_ =	strace $0xD0000000  }
0x3: {  	_ = 	snop  }
0x4: {  	_ = 	snop  }
0x5: {  	_ = 	snop  }
0x6: {  	_ = 	snop  }
0x7: {  	_ = 	snop  }
__scs_overlays_trampoline_lowered:
0x8: {  	[smem:$0x3FA6] =	sst s0  }
0x9: {  	[smem:$0x3FA7] =	sst s1  }
0xa: {  	[smem:$0x3FA8] =	sst s2  }
0xb: {  	[smem:$0x3FA9] =	sst s3  }
0xc: {  	[smem:$0x3FAA] =	sst s4  }
0xd: {  	[smem:$0x3FAB] =	sst s5  }
0xe: {  	[smem:$0x3FAC] =	sst s6  }
0xf: {  	[smem:$0x3FAD] =	sst s7  }
0x10: {  	[smem:$0x3FAE] =	sst s8  }
0x11: {  	[smem:$0x3FAF] =	sst s9;
	s0 =	simm.s32 @!p0 $0x0  }
0x12: {  	s1 =	sld [smem:$0x3F95];
	s0 =	simm.s32 @p0 $0x1  }
0x13: {  	[smem:$0x3FB0] =	sst s0;
	s0 =	simm.s32 @!p1 $0x0  }
0x14: {  	s2 =	sld [smem:$0x3F94];
	s0 =	simm.s32 @p1 $0x1  }
0x15: {  	[smem:$0x3FB1] =	sst s0;
	s0 =	simm.s32 @!p2 $0x0  }
0x16: {  	s3 =	sld [smem:$0x3FDB];
	s0 =	simm.s32 @p2 $0x1  }
0x17: {  	s4 =	simm.s32 $0x1BF5;
	[smem:$0x3FB3] =	sst s0  }
0x18: {  	s0 =	sld [smem:$0x3F96];
	_ =	swait.ge [sflag:s4], $0x0  }
0x19: {  	s7 =	sld [smem:$0x3F97]  }
0x1a: {  	s8 =	sadd.s32 $0xFFFFE003, lr  }
0x1b: {  	s9 =	sadd.s32 $0xFFFFFEF7, lr;
	s5 =	simm.s32 $0xFFFFFFFF;
	p2 =	slt.u32 s8, $0xFFFFF086  }
0x1c: {  	p1 =	slt.u32 s9, $0xF7A;
	s5 =	simm.s32 @!p2 $0x0  }
0x1d: {  	s5 =	simm.s32 @p1 $0x1;
	p0 =	seq.s32 s7, s2  }
0x1e: {  	s7 =	smul.u32 @!p0 $0xF7A, s2;
	p2 =	seq.s32 @!p0 s5, $0x0  }
0x1f: {  	s9 =	smul.u32 $0xF7A, s1;
	s8 =	simm.s32 @!p0 $0x1BF5;
	p2 =	por !p2, p0  }
0x20: {  	[sflag:s8] =	ssyncset.s32 @!p0 $0xFFFFF086;
	s6 =	sadd.s32 @!p0 s3, s7;
	s7 =	simm.s32 @!p0 $0x108  }
0x21: {  	s3 =	sadd.s32 s3, s9;
	s6 =	sadd.s32 @!p0 $0x88, s6;
	s7 =	simm.s32 @p2 $0x1082  }
0x22: {  	[simem:s7], [sflag:s8] =	dma.local @!p0 [hbm:s6], $0xF7A  }
0x23: {  	s9 =	sor.u32 $0xD0000000, s2;
	s6 =	simm.s32 $0x108;
	_ =	swait.ge @!p0 [sflag:s8], $0x0  }
0x24: {  	s3 =	sadd.s32 $0x88, s3;
	s6 =	simm.s32 @!p1 $0x1082;
	[sflag:s4] =	ssyncset.s32 $0xFFFFF086  }
0x25: {  	[simem:s6], [sflag:s4] =	dma.local [hbm:s3], $0xF7A  }
0x26: {  	[smem:$0x3F97] =	sst s1;
	(tag) =	ssettag s2;
	_ =	strace s9  }
0x27: {  	s1 =	sld [smem:$0x3FA7]  }
0x28: {  	s2 =	sld [smem:$0x3FA8]  }
0x29: {  	s4 =	sld [smem:$0x3FAA]  }
0x2a: {  	p0 =	seq.s32 s5, $0x0;
	s5 =	sld [smem:$0x3FAB]  }
0x2b: {  	s6 =	sld [smem:$0x3FAC]  }
0x2c: {  	s7 =	sld [smem:$0x3FAD]  }
0x2d: {  	s3 =	simm.s32 $0x108;
	s8 =	sld [smem:$0x3FAE]  }
0x2e: {  	s3 =	simm.s32 @!p0 $0x1082;
	s9 =	sld [smem:$0x3FAF]  }
0x2f: {  	lr =	sadd.s32 s0, s3;
	s0 =	sld [smem:$0x3FA6]  }
0x30: {  	s3 =	sld [smem:$0x3FA9]  }
0x31: {  	[smem:$0x3FB2] =	sst s10  }
0x32: {  	s10 =	sld [smem:$0x3FB0];
	_ =	sdelay $0x3  }
0x33: {  	p0 =	seq.s32 s10, $0x1;
	s10 =	sld [smem:$0x3FB2];
	_ =	sdelay $0x3  }
0x34: {  	[smem:$0x3FB2] =	sst s10  }
0x35: {  	s10 =	sld [smem:$0x3FB1];
	_ =	sdelay $0x3  }
0x36: {  	p1 =	seq.s32 s10, $0x1;
	s10 =	sld [smem:$0x3FB2];
	_ =	sdelay $0x3  }
0x37: {  	[smem:$0x3FB2] =	sst s10  }
0x38: {  	s10 =	sld [smem:$0x3FB3]  }
0x39: {  	_ = 	snop;
	(pc) =	sbr.ind lr, $3  }
0x3a: {  	_ = 	snop  }
0x3b: {  	_ = 	snop  }
0x3c: {  	p2 =	seq.s32 s10, $0x1;
	s10 =	sld [smem:$0x3FB2]  }
0x3d: {  	_ =	shalt  }
0x3e: {  	_ =	shalt  }
0x3f: {  	_ =	shalt  }
0x40: {  	_ =	shalt  }
0x41: {  	_ =	shalt  }
0x42: {  	_ =	shalt  }
0x43: {  	_ =	shalt  }
0x44: {  	_ =	shalt  }
0x45: {  	_ =	shalt  }
0x46: {  	_ =	shalt  }
0x47: {  	_ =	shalt  }
0x48: {  	_ =	shalt  }
0x49: {  	_ =	shalt  }
0x4a: {  	_ =	shalt  }
0x4b: {  	_ =	shalt  }
0x4c: {  	_ =	shalt  }
0x4d: {  	_ =	shalt  }
0x4e: {  	_ =	shalt  }
0x4f: {  	_ =	shalt  }
0x50: {  	_ =	shalt  }
0x51: {  	_ =	shalt  }
0x52: {  	_ =	shalt  }
0x53: {  	_ =	shalt  }
0x54: {  	_ =	shalt  }
0x55: {  	_ =	shalt  }
0x56: {  	_ =	shalt  }
0x57: {  	_ =	shalt  }
0x58: {  	_ =	shalt  }
0x59: {  	_ =	shalt  }
0x5a: {  	_ =	shalt  }
0x5b: {  	_ =	shalt  }
0x5c: {  	_ =	shalt  }
0x5d: {  	_ =	shalt  }
0x5e: {  	_ =	shalt  }
0x5f: {  	_ =	shalt  }
0x60: {  	_ =	shalt  }
0x61: {  	_ =	shalt  }
0x62: {  	_ =	shalt  }
0x63: {  	_ =	shalt  }
0x64: {  	_ =	shalt  }
0x65: {  	_ =	shalt  }
0x66: {  	_ =	shalt  }
0x67: {  	_ =	shalt  }
0x68: {  	_ =	shalt  }
0x69: {  	_ =	shalt  }
0x6a: {  	_ =	shalt  }
0x6b: {  	_ =	shalt  }
0x6c: {  	_ =	shalt  }
0x6d: {  	_ =	shalt  }
0x6e: {  	_ =	shalt  }
0x6f: {  	_ =	shalt  }
0x70: {  	_ =	shalt  }
0x71: {  	_ =	shalt  }
0x72: {  	_ =	shalt  }
0x73: {  	_ =	shalt  }
0x74: {  	_ =	shalt  }
0x75: {  	_ =	shalt  }
0x76: {  	_ =	shalt  }
0x77: {  	_ =	shalt  }
0x78: {  	_ =	shalt  }
0x79: {  	_ =	shalt  }
0x7a: {  	_ =	shalt  }
0x7b: {  	_ =	shalt  }
0x7c: {  	_ =	shalt  }
0x7d: {  	_ =	shalt  }
0x7e: {  	_ =	shalt  }
0x7f: {  	_ =	shalt  }
0x80: {  	_ =	shalt  }
0x81: {  	_ =	shalt  }
0x82: {  	_ =	shalt  }
0x83: {  	_ =	shalt  }
0x84: {  	_ =	shalt  }
0x85: {  	_ =	shalt  }
0x86: {  	_ =	shalt  }
0x87: {  	_ =	shalt  }
.Lfunc_end0:
.L_simem_size_0:
called_computation.1_lowered:
.L_overlay_start_0:
0x88: {  	s2 =	sld [smem:$0x3FD9]  }
0x89: {  	s3 =	sld [smem:$0x3FFE];
	_ =	sdelay $0x1  }
0x8a: {  	s1 =	srdreg.scid  }
0x8b: {  	s0 =	sand.u32 $0x1, s1  }
0x8c: {  	s17 =	sshll.u32 s0, $0xA;
	s2 =	sadd.s32 s3, s2  }
0x8d: {  	s2 =	sadd.s32 s2, s17  }
0x8e: {  	[smem:$0x3FBE] =	sst s2  }
0x8f: {  	_ = 	snop  }
0x90: {  	s2 =	sld [smem:$0x3FC9];
	(tm) =	ssettm $0x1  }
0x91: {  	s18 =	sld [smem:$0x3FFB];
	_ =	sdelay $0x3  }
0x92: {  	_ =	strace s18  }
0x93: {  	s3 =	sld [smem:$0x3FFC];
	_ =	sdelay $0x3  }
0x94: {  	_ =	strace s3  }
0x95: {  	s3 =	sld [smem:$0x3FFD];
	_ =	sdelay $0x3  }
0x96: {  	_ =	strace s3  }
0x97: {  	_ =	strace $0x8FFFFFFF  }
0x98: {  	s19 =	sld [smem:$0x3FDB];
	_ =	sdelay $0x1  }
0x99: {  	s4 =	simm.s32 $_scs_section_size  }
0x9a: {  	s5 =	simm.s32 $_size__tile_overlayer_lowered;
	s6 =	simm.s32 $_tile_overlayer_lowered  }
0x9b: {  	s22 =	simm.s32 $0x1BFF;
	s21 =	sshll.u32 s6, $0x1;
	s3 =	sadd.s32 s4, s19  }
0x9c: {  	s7 =	simm.s32 $0x0;
	s20 =	sshll.u32 s5, $0x1;
	s5 =	sadd.s32 s21, s3  }
0x9d: {  	[timem:s7], [sflag:s22] =	dma.local [hbm:s5], s20  }
0x9e: {  	_ =	swait.ge [sflag:s22], s20  }
0x9f: {  	s4 =	ssub.s32 $0x0, s20;
	[sflag:s22] =	ssyncset.done $0x0  }
0xa0: {  	[sflag:s22] =	ssyncadd.s32 s4;
	_ =	sdelay $0x1  }
0xa1: {  	s23 =	simm.s32 $0x1B8B  }
0xa2: {  	_ =	swait.ge [sflag:s23], $0x1  }
0xa3: {  	[sflag:s23] =	ssyncset.done $0x0  }
0xa4: {  	s25 =	simm.s32 $0x1B8E;
	s24 =	sld [smem:$0x3FFE];
	[sflag:s23] =	ssyncadd.s32 $0xFFFFFFFF  }
0xa5: {  	s26 =	simm.s32 $execute0_lowered;
	[smem:$0x3FD2] =	sst s25  }
0xa6: {  	s5 =	sshll.u32 s26, $0x1;
	_ =	strace $0x80000046;
	[dreg:$0x1] =	wrdreg $0xFFFFFFFF  }
0xa7: {  	s28 =	simm.s32 $_size_execute0_lowered;
	s3 =	sadd.s32 s3, s5;
	[dreg:$0x0] =	wrdreg $0x0  }
0xa8: {  	s5 =	sshll.u32 s28, $0x1;
	[dreg:$0x2] =	wrdreg s3  }
0xa9: {  	[dreg:$0x3] =	wrdreg s5  }
0xaa: {  	[dreg:$0x4] =	wrdreg $0xC0  }
0xab: {  	_ =	task [dreg:s7], $0x5FFFF  }
0xac: {  	[dreg:$0x1] =	wrdreg $0xFFFFFFFF  }
0xad: {  	[dreg:$0x0] =	wrdreg $0x60  }
0xae: {  	[dreg:$0x2] =	wrdreg s2  }
0xaf: {  	[dreg:$0x3] =	wrdreg s24  }
0xb0: {  	[dreg:$0x4] =	wrdreg $0xA8000  }
0xb1: {  	[dreg:$0x5] =	wrdreg $0xA  }
0xb2: {  	_ =	task.clear_ibuf [dreg:s7], $0x6FFFF;
	_ =	strace $0x90000046  }
0xb3: {  	s29 =	simm.s32 $0xA;
	_ =	strace $0x80000048  }
0xb4: {  	_ =	swait.ge [sflag:s29], $0x1  }
0xb5: {  	[sflag:s29] =	ssyncadd.s32 $0xFFFFFFFF  }
0xb6: {  	_ =	strace $0x90000048  }
0xb7: {  	_ =	sfence  }
0xb8: {  	s30 =	sld [smem:$0x0];
	_ =	sdelay $0x2  }
0xb9: {  	s31 =	sshll.u32 s1, $0xD;
	s1 =	sshrl.u32 s1, $0x2  }
0xba: {  	s3 =	sand.u32 $0x4000, s31;
	s1 =	sadd.s32 s1, s30  }
0xbb: {  	s0 =	sor.u32 s3, s0;
	s1 =	sshll.u32 s1, $0x11  }
0xbc: {  	s0 =	sor.u32 s1, s0  }
0xbd: {  	s0 =	sadd.s32 $0x8F2B, s0  }
0xbe: {  	[sflag:s0] =	ssyncadd.remote.s32 $0x1  }
0xbf: {  	_ =	sfence.sel $0xFFFF  }
0xc0: {  	[dreg:$0x0] =	wrdreg $0xFFFFFFFF;
	(pc) =	sbr.abs _section_cstart, $3  }
0xc1: {  	[dreg:$0x1] =	wrdreg $0xFFFFFFFF  }
0xc2: {  	_ =	task.clear_ibuf [dreg:s7], $0x2FFFF;
	_ =	strace $0x9FFFFFFF  }
0xc3: {  	(tm) =	ssettm $0x7FFFFFFF  }
tec
execute0_lowered:
.L_overlay_start_1:
0x0: {  	(tag) =	ssettag $0x1  }
0x1: {  	s1 =	rddreg [dreg:$0x0]  }
0x2: {  	s0 =	srdreg.scid;
	s7 =	rddreg [dreg:$0x1]  }
0x3: {  	s3 =	rddreg [dreg:$0x2];
	s4 =	simm.s32 $0x0;
	s13 =	simm.s32 $0x7D  }
0x4: {  	s14 =	simm.s32 $0x2800;
	s15 =	simm.s32 $0x1;
	s16 =	simm.s32 $0x6800  }
0x5: {  	s17 =	simm.s32 $0x2;
	s18 =	simm.s32 $0x1380;
	s19 =	simm.s32 $0x2700  }
0x6: {  	s20 =	simm.s32 $0x2780;
	s6 =	sand.u32 $0x1, s0;
	s0 =	stileid.u32  }
0x7: {  	[smem:$0x7FF] =	sst s4;
	s2 =	sshll.u32 s6, $0x4;
	s8 =	smul.u32 $0x27800, s6  }
0x8: {  	s9 =	smul.u32 $0x4F000, s0;
	s6 =	ssub.s32 $0x2, s6;
	s31 =	sshll.u32 s0, $0x6  }
0x9: {  	s24 =	smul.u32 $0x2780, s0;
	s5 =	sor.u32 s0, s2;
	s2 =	rddreg [dreg:$0x3]  }
0xa: {  	_ =	strace $0x80000047;
	s28 =	sshrl.u32 s6, $0x1;
	s5 =	smul.u32 $0x500, s5  }
0xb: {  	s11 =	sadd.s32 s8, s7;
	s29 =	sshrl.u32 s9, $0x2;
	s30 =	ssub.s32 s6, s28  }
0xc: {  	s6 =	sor.u32 $0x1C03, s31;
	s12 =	sadd.s32 s29, s3;
	s23 =	sadd.s32 $0x18800, s11  }
0xd: {  	s9 =	smax.u32 s30, $0x1;
	s11 =	simm.s32 $0x3;
	s10 =	sadd.s32 s5, s7  }
0xe: {  	s5 =	sadd.s32 $0x16000, s7;
	s23 =	sadd.s32 s24, s23;
	s24 =	simm.s32 $0x0  }
0xf: {  	s7 =	sadd.s32 $0xC000, s10;
	s8 =	sadd.s32 $0x2000, s10;
	s10 =	sshrl.u32 s12, $0x3  }
0x10: {  	s12 =	simm.s32 $0x1400;
	s21 =	sadd.s32 $0x280, s7;
	s22 =	sadd.s32 $0x280, s8  }
.LBB2_1:
0x11: {  	[spmem:s10], [sflag:s6] =	dma.local [hbm:s5], $0x2780  }
0x12: {  	_ =	swait.ge [sflag:s11], $0x2780  }
0x13: {  	[sflag:s11] =	ssyncset.done $0x0  }
0x14: {  	[sflag:s11] =	ssyncadd.s32 $0xFFFFD880  }
0x15: {  	[bflag:$0x0] =	sbarrier.arrive $0xFFFF  }
0x16: {  	[tilespmem:s4], [sflag:$0x3] =	stream.linear.gather [hbm4b:s7+s4], $0x1400, $0x38;
	[tilespmem:$0x1E400] =	vst v63  }
0x17: {  	_ =	swait.ge [sflag:s11], $0x1400  }
0x18: {  	[sflag:s11] =	ssyncset.done $0x0  }
0x19: {  	[sflag:s11] =	ssyncadd.s32 $0xFFFFEC00  }
0x1a: {  	[tilespmem:s12], [sflag:$0x3] =	stream.linear.gather [hbm4b:s8+s4], $0x1400, $0x38;
	[tilespmem:$0x1E400] =	vst v63  }
0x1b: {  	_ =	swait.ge [sflag:s11], $0x1400  }
0x1c: {  	[sflag:s11] =	ssyncset.done $0x0  }
0x1d: {  	[sflag:s11] =	ssyncadd.s32 $0xFFFFEC00  }
0x1e: {  	[tilespmem:s14], [sflag:$0x1] =	stream.indirect.gather [hbm4b:s1+s13], $0x80, s4, s13, $0xb8;
	[tilespmem:$0x1E400] =	vst v63  }
0x1f: {  	_ =	swait.ge [sflag:s15], $0x3E80  }
0x20: {  	[sflag:s15] =	ssyncset.done $0x0  }
0x21: {  	s25 =	simm.s32 $0x80;
	[sflag:s15] =	ssyncadd.s32 $0xFFFFC180  }
0x22: {  	[tilespmem:s16], [sflag:$0x2] =	stream.indirect.gather [hbm4b:s1+s13], $0x80, s25, s13, $0xb8;
	[tilespmem:$0x1E400] =	vst v63  }
0x23: {  	s29 =	simm.s32 $0x1400  }
0x24: {  	[spmem:s3] =	stream.indirect.scatter.add.f32 [tilespmem:s14], [sflag:$0x3], $0x80, s29, s13, $0xb8;
	[tilespmem:$0x1E400] =	vst v63  }
0x25: {  	_ =	swait.ge [sflag:s11], $0x3E80  }
0x26: {  	[sflag:s11] =	ssyncset.done $0x0  }
0x27: {  	[sflag:s11] =	ssyncadd.s32 $0xFFFFC180  }
0x28: {  	_ =	swait.ge [sflag:s17], $0x3E80  }
0x29: {  	[sflag:s17] =	ssyncset.done $0x0  }
0x2a: {  	s30 =	simm.s32 $0x100;
	[sflag:s17] =	ssyncadd.s32 $0xFFFFC180  }
0x2b: {  	[tilespmem:s14], [sflag:$0x1] =	stream.indirect.gather [hbm4b:s1+s13], $0x80, s30, s13, $0xb8;
	[tilespmem:$0x1E400] =	vst v63  }
0x2c: {  	s31 =	simm.s32 $0x1480  }
0x2d: {  	[spmem:s3] =	stream.indirect.scatter.add.f32 [tilespmem:s16], [sflag:$0x3], $0x80, s31, s13, $0xb8;
	[tilespmem:$0x1E400] =	vst v63  }
0x2e: {  	_ =	swait.ge [sflag:s11], $0x3E80  }
0x2f: {  	s25 =	simm.s32 $0x400;
	[sflag:s11] =	ssyncset.done $0x0  }
.LBB2_2:
0x30: {  	p0 =	sne.s32 s25, $0x4800  }
0x31: {  	[sflag:s11] =	ssyncadd.s32 $0xFFFFC180;
	s26 =	smov.u32 s25;
	s25 =	sadd.s32 $0x400, s25  }
0x32: {  	_ = 	snop  }
0x33: {  	_ =	swait.ge [sflag:s15], $0x3E80  }
0x34: {  	s26 =	sshra.s32 s26, $0x2;
	[sflag:s15] =	ssyncset.done $0x0  }
0x35: {  	s28 =	sadd.s32 $0x80, s26;
	[sflag:s15] =	ssyncadd.s32 $0xFFFFC180  }
0x36: {  	[tilespmem:s16], [sflag:$0x2] =	stream.indirect.gather [hbm4b:s1+s13], $0x80, s28, s13, $0xb8;
	[tilespmem:$0x1E400] =	vst v63  }
0x37: {  	s28 =	sadd.s32 $0x1400, s26  }
0x38: {  	[spmem:s3] =	stream.indirect.scatter.add.f32 [tilespmem:s14], [sflag:$0x3], $0x80, s28, s13, $0xb8;
	[tilespmem:$0x1E400] =	vst v63  }
0x39: {  	_ =	swait.ge [sflag:s11], $0x3E80  }
0x3a: {  	[sflag:s11] =	ssyncset.done $0x0  }
0x3b: {  	[sflag:s11] =	ssyncadd.s32 $0xFFFFC180  }
0x3c: {  	_ =	swait.ge [sflag:s17], $0x3E80  }
0x3d: {  	[sflag:s17] =	ssyncset.done $0x0  }
0x3e: {  	s28 =	sadd.s32 $0x100, s26;
	[sflag:s17] =	ssyncadd.s32 $0xFFFFC180  }
0x3f: {  	[tilespmem:s14], [sflag:$0x1] =	stream.indirect.gather [hbm4b:s1+s13], $0x80, s28, s13, $0xb8;
	[tilespmem:$0x1E400] =	vst v63  }
.Ltmp0:
0x40: {  	_ = 	snop;
	(pc) =	sbr.rel @p0 .LBB2_2-.Ltmp0, $4  }
0x41: {  	s26 =	sadd.s32 $0x1480, s26  }
0x42: {  	[spmem:s3] =	stream.indirect.scatter.add.f32 [tilespmem:s16], [sflag:$0x3], $0x80, s26, s13, $0xb8;
	[tilespmem:$0x1E400] =	vst v63  }
0x43: {  	_ =	swait.ge [sflag:s11], $0x3E80  }
0x44: {  	[sflag:s11] =	ssyncset.done $0x0  }
0x45: {  	[sflag:s11] =	ssyncadd.s32 $0xFFFFC180  }
0x46: {  	_ =	swait.ge [sflag:s15], $0x3E80  }
0x47: {  	[sflag:s15] =	ssyncset.done $0x0  }
0x48: {  	[sflag:s15] =	ssyncadd.s32 $0xFFFFC180  }
0x49: {  	[tilespmem:s16], [sflag:$0x2] =	stream.indirect.gather [hbm4b:s1+s13], $0x80, s18, s13, $0xb8;
	[tilespmem:$0x1E400] =	vst v63  }
0x4a: {  	_ = 	snop  }
0x4b: {  	[spmem:s3] =	stream.indirect.scatter.add.f32 [tilespmem:s14], [sflag:$0x3], $0x80, s19, s13, $0xb8;
	[tilespmem:$0x1E400] =	vst v63  }
0x4c: {  	_ =	swait.ge [sflag:s11], $0x3E80  }
0x4d: {  	[sflag:s11] =	ssyncset.done $0x0  }
0x4e: {  	[sflag:s11] =	ssyncadd.s32 $0xFFFFC180  }
0x4f: {  	_ =	swait.ge [sflag:s17], $0x3E80  }
0x50: {  	[sflag:s17] =	ssyncset.done $0x0  }
0x51: {  	[sflag:s17] =	ssyncadd.s32 $0xFFFFC180  }
0x52: {  	[spmem:s3] =	stream.indirect.scatter.add.f32 [tilespmem:s16], [sflag:$0x3], $0x80, s20, s13, $0xb8;
	[tilespmem:$0x1E400] =	vst v63  }
0x53: {  	_ =	swait.ge [sflag:s11], $0x3E80  }
0x54: {  	[sflag:s11] =	ssyncset.done $0x0  }
0x55: {  	s25 =	simm.s32 $0x0;
	[sflag:s11] =	ssyncadd.s32 $0xFFFFC180  }
0x56: {  	[tilespmem:s25], [sflag:$0x3] =	stream.linear.gather [hbm4b:s21+s25], $0x1400, $0x38;
	[tilespmem:$0x1E400] =	vst v63  }
0x57: {  	_ =	swait.ge [sflag:s11], $0x1400  }
0x58: {  	[sflag:s11] =	ssyncset.done $0x0  }
0x59: {  	[sflag:s11] =	ssyncadd.s32 $0xFFFFEC00  }
0x5a: {  	[tilespmem:s12], [sflag:$0x3] =	stream.linear.gather [hbm4b:s22+s25], $0x1400, $0x38;
	[tilespmem:$0x1E400] =	vst v63  }
0x5b: {  	_ =	swait.ge [sflag:s11], $0x1400  }
0x5c: {  	[sflag:s11] =	ssyncset.done $0x0  }
0x5d: {  	[sflag:s11] =	ssyncadd.s32 $0xFFFFEC00  }
0x5e: {  	[tilespmem:s14], [sflag:$0x1] =	stream.indirect.gather [hbm4b:s1+s13], $0x80, s25, s13, $0xb8;
	[tilespmem:$0x1E400] =	vst v63  }
0x5f: {  	_ =	swait.ge [sflag:s15], $0x3E80  }
0x60: {  	[sflag:s15] =	ssyncset.done $0x0  }
0x61: {  	s28 =	simm.s32 $0x80;
	[sflag:s15] =	ssyncadd.s32 $0xFFFFC180  }
0x62: {  	[tilespmem:s16], [sflag:$0x2] =	stream.indirect.gather [hbm4b:s1+s13], $0x80, s28, s13, $0xb8;
	[tilespmem:$0x1E400] =	vst v63  }
0x63: {  	s29 =	simm.s32 $0x1400  }
0x64: {  	[spmem:s3] =	stream.indirect.scatter.add.f32 [tilespmem:s14], [sflag:$0x3], $0x80, s29, s13, $0xb8;
	[tilespmem:$0x1E400] =	vst v63  }
0x65: {  	_ =	swait.ge [sflag:s11], $0x3E80  }
0x66: {  	[sflag:s11] =	ssyncset.done $0x0  }
0x67: {  	[sflag:s11] =	ssyncadd.s32 $0xFFFFC180  }
0x68: {  	_ =	swait.ge [sflag:s17], $0x3E80  }
0x69: {  	[sflag:s17] =	ssyncset.done $0x0  }
0x6a: {  	s30 =	simm.s32 $0x100;
	[sflag:s17] =	ssyncadd.s32 $0xFFFFC180  }
0x6b: {  	[tilespmem:s14], [sflag:$0x1] =	stream.indirect.gather [hbm4b:s1+s13], $0x80, s30, s13, $0xb8;
	[tilespmem:$0x1E400] =	vst v63  }
0x6c: {  	s31 =	simm.s32 $0x1480  }
0x6d: {  	[spmem:s3] =	stream.indirect.scatter.add.f32 [tilespmem:s16], [sflag:$0x3], $0x80, s31, s13, $0xb8;
	[tilespmem:$0x1E400] =	vst v63  }
0x6e: {  	_ =	swait.ge [sflag:s11], $0x3E80  }
0x6f: {  	s25 =	simm.s32 $0x400;
	[sflag:s11] =	ssyncset.done $0x0  }
.LBB2_4:
0x70: {  	p0 =	sne.s32 s25, $0x4800  }
0x71: {  	[sflag:s11] =	ssyncadd.s32 $0xFFFFC180;
	s26 =	smov.u32 s25;
	s25 =	sadd.s32 $0x400, s25  }
0x72: {  	_ = 	snop  }
0x73: {  	_ =	swait.ge [sflag:s15], $0x3E80  }
0x74: {  	s26 =	sshra.s32 s26, $0x2;
	[sflag:s15] =	ssyncset.done $0x0  }
0x75: {  	s28 =	sadd.s32 $0x80, s26;
	[sflag:s15] =	ssyncadd.s32 $0xFFFFC180  }
0x76: {  	[tilespmem:s16], [sflag:$0x2] =	stream.indirect.gather [hbm4b:s1+s13], $0x80, s28, s13, $0xb8;
	[tilespmem:$0x1E400] =	vst v63  }
0x77: {  	s28 =	sadd.s32 $0x1400, s26  }
0x78: {  	[spmem:s3] =	stream.indirect.scatter.add.f32 [tilespmem:s14], [sflag:$0x3], $0x80, s28, s13, $0xb8;
	[tilespmem:$0x1E400] =	vst v63  }
0x79: {  	_ =	swait.ge [sflag:s11], $0x3E80  }
0x7a: {  	[sflag:s11] =	ssyncset.done $0x0  }
0x7b: {  	[sflag:s11] =	ssyncadd.s32 $0xFFFFC180  }
0x7c: {  	_ =	swait.ge [sflag:s17], $0x3E80  }
0x7d: {  	[sflag:s17] =	ssyncset.done $0x0  }
0x7e: {  	s28 =	sadd.s32 $0x100, s26;
	[sflag:s17] =	ssyncadd.s32 $0xFFFFC180  }
0x7f: {  	[tilespmem:s14], [sflag:$0x1] =	stream.indirect.gather [hbm4b:s1+s13], $0x80, s28, s13, $0xb8;
	[tilespmem:$0x1E400] =	vst v63  }
.Ltmp1:
0x80: {  	_ = 	snop;
	(pc) =	sbr.rel @p0 .LBB2_4-.Ltmp1, $4  }
0x81: {  	s26 =	sadd.s32 $0x1480, s26  }
0x82: {  	[spmem:s3] =	stream.indirect.scatter.add.f32 [tilespmem:s16], [sflag:$0x3], $0x80, s26, s13, $0xb8;
	[tilespmem:$0x1E400] =	vst v63  }
0x83: {  	_ =	swait.ge [sflag:s11], $0x3E80  }
0x84: {  	[sflag:s11] =	ssyncset.done $0x0  }
0x85: {  	[sflag:s11] =	ssyncadd.s32 $0xFFFFC180  }
0x86: {  	_ =	swait.ge [sflag:s15], $0x3E80  }
0x87: {  	[sflag:s15] =	ssyncset.done $0x0  }
0x88: {  	[sflag:s15] =	ssyncadd.s32 $0xFFFFC180  }
0x89: {  	[tilespmem:s16], [sflag:$0x2] =	stream.indirect.gather [hbm4b:s1+s13], $0x80, s18, s13, $0xb8;
	[tilespmem:$0x1E400] =	vst v63  }
0x8a: {  	_ = 	snop  }
0x8b: {  	[spmem:s3] =	stream.indirect.scatter.add.f32 [tilespmem:s14], [sflag:$0x3], $0x80, s19, s13, $0xb8;
	[tilespmem:$0x1E400] =	vst v63  }
0x8c: {  	_ =	swait.ge [sflag:s11], $0x3E80  }
0x8d: {  	[sflag:s11] =	ssyncset.done $0x0  }
0x8e: {  	[sflag:s11] =	ssyncadd.s32 $0xFFFFC180  }
0x8f: {  	_ =	swait.ge [sflag:s17], $0x3E80  }
0x90: {  	[sflag:s17] =	ssyncset.done $0x0  }
0x91: {  	[sflag:s17] =	ssyncadd.s32 $0xFFFFC180  }
0x92: {  	[spmem:s3] =	stream.indirect.scatter.add.f32 [tilespmem:s16], [sflag:$0x3], $0x80, s20, s13, $0xb8;
	[tilespmem:$0x1E400] =	vst v63  }
0x93: {  	_ =	swait.ge [sflag:s11], $0x3E80  }
0x94: {  	s24 =	sadd.s32 $0x1, s24;
	[sflag:s11] =	ssyncset.done $0x0  }
0x95: {  	p0 =	sne.s32 s24, s9;
	[sflag:s11] =	ssyncadd.s32 $0xFFFFC180  }
.Ltmp2:
0x96: {  	[bflag:$0x0] =	sbarrier.arrive $0xFFFF;
	(pc) =	sbr.rel @p0 .LBB2_1-.Ltmp2, $4  }
0x97: {  	[hbm:s23], [sflag:s6] =	dma.local [spmem:s10], $0x2780  }
0x98: {  	_ =	swait.ge [sflag:s11], $0x2780  }
0x99: {  	[sflag:s11] =	ssyncset.done $0x0  }
0x9a: {  	[sflag:s11] =	ssyncadd.s32 $0xFFFFD880  }
0x9b: {  	_ =	sfence.sel $0x180000  }
0x9c: {  	[bflag:$0x0] =	sbarrier.arrive $0xFFFF  }
0x9d: {  	p0 =	sne.s32 s0, $0x0;
	_ =	strace $0x90000047  }
0x9e: {  	s0 =	sadd.s32 @!p0 $0x100000, s2;
	[bflag:$0x2] =	sbarrier.arrive $0xFFFF  }
0x9f: {  	[sflag:s0] =	ssyncadd.tile.s32 @!p0 $0x1;
	_ =	shalt  }
.Lfunc_end2:
_tile_overlayer_lowered:
.L_overlay_start_2:
0xa0: {  	(tag) =	ssettag $0x2  }
0xa1: {  	s0 =	rddreg [dreg:$0x0];
	s2 =	stileid.u32  }
0xa2: {  	s1 =	rddreg [dreg:$0x1];
	p0 =	sne.s32 s2, $0x0  }
0xa3: {  	s3 =	rddreg [dreg:$0x2];
	[bflag:$0x3] =	sbarrier.arrive $0xFFFF;
	s2 =	simm.s32 @!p0 $0x1C03  }
0xa4: {  	[timem:s3], [sflag:s2] =	dma.local @!p0 [hbm:s0], s1  }
0xa5: {  	s0 =	simm.s32 @!p0 $0x3  }
0xa6: {  	_ =	swait.ge @!p0 [sflag:s0], s1  }
0xa7: {  	s1 =	ssub.s32 @!p0 $0x0, s1;
	[sflag:s0] =	ssyncset.done @!p0 $0x0  }
0xa8: {  	[sflag:s0] =	ssyncadd.s32 @!p0 s1  }
0xa9: {  	[bflag:$0x3] =	sbarrier.arrive $0xFFFF  }
0xaa: {  	_ =	shalt  }

// kernel: kernel.13.cloned.1.call-start
scs
__scs_entry_jumppad:
0x0: {  	(pc) =	sbr.rel $0x88, $3  }
0x1: {  	(tag) =	ssettag $0x0;
	lr =	simm.s32 $0x1  }
0x2: {  	[smem:$0x3F97] =	sst lr;
	_ =	strace $0xD0000000  }
0x3: {  	_ = 	snop  }
0x4: {  	_ = 	snop  }
0x5: {  	_ = 	snop  }
0x6: {  	_ = 	snop  }
0x7: {  	_ = 	snop  }
__scs_overlays_trampoline_lowered:
0x8: {  	[smem:$0x3FA6] =	sst s0  }
0x9: {  	[smem:$0x3FA7] =	sst s1  }
0xa: {  	[smem:$0x3FA8] =	sst s2  }
0xb: {  	[smem:$0x3FA9] =	sst s3  }
0xc: {  	[smem:$0x3FAA] =	sst s4  }
0xd: {  	[smem:$0x3FAB] =	sst s5  }
0xe: {  	[smem:$0x3FAC] =	sst s6  }
0xf: {  	[smem:$0x3FAD] =	sst s7  }
0x10: {  	[smem:$0x3FAE] =	sst s8  }
0x11: {  	[smem:$0x3FAF] =	sst s9;
	s0 =	simm.s32 @!p0 $0x0  }
0x12: {  	s1 =	sld [smem:$0x3F95];
	s0 =	simm.s32 @p0 $0x1  }
0x13: {  	[smem:$0x3FB0] =	sst s0;
	s0 =	simm.s32 @!p1 $0x0  }
0x14: {  	s2 =	sld [smem:$0x3F94];
	s0 =	simm.s32 @p1 $0x1  }
0x15: {  	[smem:$0x3FB1] =	sst s0;
	s0 =	simm.s32 @!p2 $0x0  }
0x16: {  	s3 =	sld [smem:$0x3FDB];
	s0 =	simm.s32 @p2 $0x1  }
0x17: {  	s4 =	simm.s32 $0x1BF5;
	[smem:$0x3FB3] =	sst s0  }
0x18: {  	s0 =	sld [smem:$0x3F96];
	_ =	swait.ge [sflag:s4], $0x0  }
0x19: {  	s7 =	sld [smem:$0x3F97]  }
0x1a: {  	s8 =	sadd.s32 $0xFFFFE003, lr  }
0x1b: {  	s9 =	sadd.s32 $0xFFFFFEF7, lr;
	s5 =	simm.s32 $0xFFFFFFFF;
	p2 =	slt.u32 s8, $0xFFFFF086  }
0x1c: {  	p1 =	slt.u32 s9, $0xF7A;
	s5 =	simm.s32 @!p2 $0x0  }
0x1d: {  	s5 =	simm.s32 @p1 $0x1;
	p0 =	seq.s32 s7, s2  }
0x1e: {  	s7 =	smul.u32 @!p0 $0xF7A, s2;
	p2 =	seq.s32 @!p0 s5, $0x0  }
0x1f: {  	s9 =	smul.u32 $0xF7A, s1;
	s8 =	simm.s32 @!p0 $0x1BF5;
	p2 =	por !p2, p0  }
0x20: {  	[sflag:s8] =	ssyncset.s32 @!p0 $0xFFFFF086;
	s6 =	sadd.s32 @!p0 s3, s7;
	s7 =	simm.s32 @!p0 $0x108  }
0x21: {  	s3 =	sadd.s32 s3, s9;
	s6 =	sadd.s32 @!p0 $0x88, s6;
	s7 =	simm.s32 @p2 $0x1082  }
0x22: {  	[simem:s7], [sflag:s8] =	dma.local @!p0 [hbm:s6], $0xF7A  }
0x23: {  	s9 =	sor.u32 $0xD0000000, s2;
	s6 =	simm.s32 $0x108;
	_ =	swait.ge @!p0 [sflag:s8], $0x0  }
0x24: {  	s3 =	sadd.s32 $0x88, s3;
	s6 =	simm.s32 @!p1 $0x1082;
	[sflag:s4] =	ssyncset.s32 $0xFFFFF086  }
0x25: {  	[simem:s6], [sflag:s4] =	dma.local [hbm:s3], $0xF7A  }
0x26: {  	[smem:$0x3F97] =	sst s1;
	(tag) =	ssettag s2;
	_ =	strace s9  }
0x27: {  	s1 =	sld [smem:$0x3FA7]  }
0x28: {  	s2 =	sld [smem:$0x3FA8]  }
0x29: {  	s4 =	sld [smem:$0x3FAA]  }
0x2a: {  	p0 =	seq.s32 s5, $0x0;
	s5 =	sld [smem:$0x3FAB]  }
0x2b: {  	s6 =	sld [smem:$0x3FAC]  }
0x2c: {  	s7 =	sld [smem:$0x3FAD]  }
0x2d: {  	s3 =	simm.s32 $0x108;
	s8 =	sld [smem:$0x3FAE]  }
0x2e: {  	s3 =	simm.s32 @!p0 $0x1082;
	s9 =	sld [smem:$0x3FAF]  }
0x2f: {  	lr =	sadd.s32 s0, s3;
	s0 =	sld [smem:$0x3FA6]  }
0x30: {  	s3 =	sld [smem:$0x3FA9]  }
0x31: {  	[smem:$0x3FB2] =	sst s10  }
0x32: {  	s10 =	sld [smem:$0x3FB0];
	_ =	sdelay $0x3  }
0x33: {  	p0 =	seq.s32 s10, $0x1;
	s10 =	sld [smem:$0x3FB2];
	_ =	sdelay $0x3  }
0x34: {  	[smem:$0x3FB2] =	sst s10  }
0x35: {  	s10 =	sld [smem:$0x3FB1];
	_ =	sdelay $0x3  }
0x36: {  	p1 =	seq.s32 s10, $0x1;
	s10 =	sld [smem:$0x3FB2];
	_ =	sdelay $0x3  }
0x37: {  	[smem:$0x3FB2] =	sst s10  }
0x38: {  	s10 =	sld [smem:$0x3FB3]  }
0x39: {  	_ = 	snop;
	(pc) =	sbr.ind lr, $3  }
0x3a: {  	_ = 	snop  }
0x3b: {  	_ = 	snop  }
0x3c: {  	p2 =	seq.s32 s10, $0x1;
	s10 =	sld [smem:$0x3FB2]  }
0x3d: {  	_ =	shalt  }
0x3e: {  	_ =	shalt  }
0x3f: {  	_ =	shalt  }
0x40: {  	_ =	shalt  }
0x41: {  	_ =	shalt  }
0x42: {  	_ =	shalt  }
0x43: {  	_ =	shalt  }
0x44: {  	_ =	shalt  }
0x45: {  	_ =	shalt  }
0x46: {  	_ =	shalt  }
0x47: {  	_ =	shalt  }
0x48: {  	_ =	shalt  }
0x49: {  	_ =	shalt  }
0x4a: {  	_ =	shalt  }
0x4b: {  	_ =	shalt  }
0x4c: {  	_ =	shalt  }
0x4d: {  	_ =	shalt  }
0x4e: {  	_ =	shalt  }
0x4f: {  	_ =	shalt  }
0x50: {  	_ =	shalt  }
0x51: {  	_ =	shalt  }
0x52: {  	_ =	shalt  }
0x53: {  	_ =	shalt  }
0x54: {  	_ =	shalt  }
0x55: {  	_ =	shalt  }
0x56: {  	_ =	shalt  }
0x57: {  	_ =	shalt  }
0x58: {  	_ =	shalt  }
0x59: {  	_ =	shalt  }
0x5a: {  	_ =	shalt  }
0x5b: {  	_ =	shalt  }
0x5c: {  	_ =	shalt  }
0x5d: {  	_ =	shalt  }
0x5e: {  	_ =	shalt  }
0x5f: {  	_ =	shalt  }
0x60: {  	_ =	shalt  }
0x61: {  	_ =	shalt  }
0x62: {  	_ =	shalt  }
0x63: {  	_ =	shalt  }
0x64: {  	_ =	shalt  }
0x65: {  	_ =	shalt  }
0x66: {  	_ =	shalt  }
0x67: {  	_ =	shalt  }
0x68: {  	_ =	shalt  }
0x69: {  	_ =	shalt  }
0x6a: {  	_ =	shalt  }
0x6b: {  	_ =	shalt  }
0x6c: {  	_ =	shalt  }
0x6d: {  	_ =	shalt  }
0x6e: {  	_ =	shalt  }
0x6f: {  	_ =	shalt  }
0x70: {  	_ =	shalt  }
0x71: {  	_ =	shalt  }
0x72: {  	_ =	shalt  }
0x73: {  	_ =	shalt  }
0x74: {  	_ =	shalt  }
0x75: {  	_ =	shalt  }
0x76: {  	_ =	shalt  }
0x77: {  	_ =	shalt  }
0x78: {  	_ =	shalt  }
0x79: {  	_ =	shalt  }
0x7a: {  	_ =	shalt  }
0x7b: {  	_ =	shalt  }
0x7c: {  	_ =	shalt  }
0x7d: {  	_ =	shalt  }
0x7e: {  	_ =	shalt  }
0x7f: {  	_ =	shalt  }
0x80: {  	_ =	shalt  }
0x81: {  	_ =	shalt  }
0x82: {  	_ =	shalt  }
0x83: {  	_ =	shalt  }
0x84: {  	_ =	shalt  }
0x85: {  	_ =	shalt  }
0x86: {  	_ =	shalt  }
0x87: {  	_ =	shalt  }
.Lfunc_end0:
.L_simem_size_0:
called_computation.2_lowered:
.L_overlay_start_0:
0x88: {  	s2 =	sld [smem:$0x3FD9]  }
0x89: {  	s3 =	sld [smem:$0x3FFE];
	_ =	sdelay $0x1  }
0x8a: {  	s1 =	srdreg.scid  }
0x8b: {  	s0 =	sand.u32 $0x1, s1  }
0x8c: {  	s16 =	sshll.u32 s0, $0xA;
	s2 =	sadd.s32 s3, s2  }
0x8d: {  	s2 =	sadd.s32 s2, s16  }
0x8e: {  	[smem:$0x3FBE] =	sst s2  }
0x8f: {  	_ = 	snop  }
0x90: {  	(tm) =	ssettm $0x1  }
0x91: {  	s17 =	sld [smem:$0x3FFB];
	_ =	sdelay $0x3  }
0x92: {  	_ =	strace s17  }
0x93: {  	s2 =	sld [smem:$0x3FFC];
	_ =	sdelay $0x3  }
0x94: {  	_ =	strace s2  }
0x95: {  	s2 =	sld [smem:$0x3FFD];
	_ =	sdelay $0x3  }
0x96: {  	_ =	strace s2  }
0x97: {  	_ =	strace $0x8FFFFFFF  }
0x98: {  	s18 =	sld [smem:$0x3FDB];
	_ =	sdelay $0x1  }
0x99: {  	s19 =	simm.s32 $_scs_section_size  }
0x9a: {  	s4 =	simm.s32 $_size__tile_overlayer_lowered;
	s5 =	simm.s32 $_tile_overlayer_lowered  }
0x9b: {  	s22 =	simm.s32 $0x1BFF;
	s21 =	sshll.u32 s5, $0x1;
	s2 =	sadd.s32 s19, s18  }
0x9c: {  	s6 =	simm.s32 $0x0;
	s20 =	sshll.u32 s4, $0x1;
	s4 =	sadd.s32 s21, s2  }
0x9d: {  	[timem:s6], [sflag:s22] =	dma.local [hbm:s4], s20  }
0x9e: {  	_ =	swait.ge [sflag:s22], s20  }
0x9f: {  	s3 =	ssub.s32 $0x0, s20;
	[sflag:s22] =	ssyncset.done $0x0  }
0xa0: {  	[sflag:s22] =	ssyncadd.s32 s3;
	_ =	sdelay $0x1  }
0xa1: {  	s23 =	simm.s32 $0x1B8B  }
0xa2: {  	_ =	swait.ge [sflag:s23], $0x1  }
0xa3: {  	[sflag:s23] =	ssyncset.done $0x0  }
0xa4: {  	s25 =	simm.s32 $0x1B8E;
	s24 =	sld [smem:$0x3FFE];
	[sflag:s23] =	ssyncadd.s32 $0xFFFFFFFF  }
0xa5: {  	s26 =	simm.s32 $execute0_lowered;
	[smem:$0x3FD2] =	sst s25  }
0xa6: {  	s4 =	sshll.u32 s26, $0x1;
	_ =	strace $0x8000004C;
	[dreg:$0x1] =	wrdreg $0xFFFFFFFF  }
0xa7: {  	s28 =	simm.s32 $_size_execute0_lowered;
	s2 =	sadd.s32 s2, s4;
	[dreg:$0x0] =	wrdreg $0x0  }
0xa8: {  	s4 =	sshll.u32 s28, $0x1;
	[dreg:$0x2] =	wrdreg s2  }
0xa9: {  	[dreg:$0x3] =	wrdreg s4  }
0xaa: {  	[dreg:$0x4] =	wrdreg $0xC0  }
0xab: {  	_ =	task [dreg:s6], $0x5FFFF  }
0xac: {  	[dreg:$0x1] =	wrdreg $0xFFFFFFFF  }
0xad: {  	[dreg:$0x0] =	wrdreg $0x60  }
0xae: {  	[dreg:$0x2] =	wrdreg s24  }
0xaf: {  	[dreg:$0x3] =	wrdreg $0xA8000  }
0xb0: {  	[dreg:$0x4] =	wrdreg $0x9  }
0xb1: {  	_ =	task.clear_ibuf [dreg:s6], $0x5FFFF;
	_ =	strace $0x9000004C  }
0xb2: {  	s29 =	simm.s32 $0x9;
	_ =	strace $0x8000004E  }
0xb3: {  	_ =	swait.ge [sflag:s29], $0x1  }
0xb4: {  	[sflag:s29] =	ssyncadd.s32 $0xFFFFFFFF  }
0xb5: {  	_ =	strace $0x9000004E  }
0xb6: {  	_ =	sfence  }
0xb7: {  	s30 =	sld [smem:$0x0];
	_ =	sdelay $0x2  }
0xb8: {  	s31 =	sshll.u32 s1, $0xD;
	s1 =	sshrl.u32 s1, $0x2  }
0xb9: {  	s3 =	sand.u32 $0x4000, s31;
	s1 =	sadd.s32 s1, s30  }
0xba: {  	s0 =	sor.u32 s3, s0;
	s1 =	sshll.u32 s1, $0x11  }
0xbb: {  	s0 =	sor.u32 s1, s0  }
0xbc: {  	s0 =	sadd.s32 $0x8F2B, s0  }
0xbd: {  	[sflag:s0] =	ssyncadd.remote.s32 $0x1  }
0xbe: {  	_ =	sfence.sel $0xFFFF  }
0xbf: {  	[dreg:$0x0] =	wrdreg $0xFFFFFFFF;
	(pc) =	sbr.abs _section_cstart, $3  }
0xc0: {  	[dreg:$0x1] =	wrdreg $0xFFFFFFFF  }
0xc1: {  	_ =	task.clear_ibuf [dreg:s6], $0x2FFFF;
	_ =	strace $0x9FFFFFFF  }
0xc2: {  	(tm) =	ssettm $0x7FFFFFFF  }
0xc3: {  	_ =	shalt  }
tec
execute0_lowered:
.L_overlay_start_1:
0x0: {  	(tag) =	ssettag $0x1  }
0x1: {  	s7 =	rddreg [dreg:$0x0]  }
0x2: {  	s0 =	srdreg.scid;
	s2 =	rddreg [dreg:$0x1]  }
0x3: {  	s3 =	simm.s32 $0x0;
	s13 =	simm.s32 $0x7D;
	s14 =	simm.s32 $0x2800  }
0x4: {  	s15 =	simm.s32 $0x1;
	s16 =	simm.s32 $0x6800;
	s17 =	simm.s32 $0x2  }
0x5: {  	s18 =	simm.s32 $0x1380;
	s19 =	simm.s32 $0x2700;
	s6 =	sand.u32 $0x1, s0  }
0x6: {  	s20 =	simm.s32 $0x2780;
	s0 =	stileid.u32;
	s8 =	smul.u32 $0x27800, s6  }
0x7: {  	[smem:$0x7FF] =	sst s3;
	s1 =	sshll.u32 s6, $0x4;
	s9 =	smul.u32 $0x4F000, s0  }
0x8: {  	s6 =	ssub.s32 $0x2, s6;
	s31 =	sshll.u32 s0, $0x6;
	s24 =	smul.u32 $0x2780, s0  }
0x9: {  	s4 =	sor.u32 s0, s1;
	s1 =	rddreg [dreg:$0x2];
	_ =	strace $0x8000004D  }
0xa: {  	s28 =	sshrl.u32 s6, $0x1;
	s5 =	smul.u32 $0x500, s4;
	s4 =	sadd.s32 $0x18800, s7  }
0xb: {  	s11 =	sadd.s32 s8, s7;
	s29 =	sshrl.u32 s9, $0x2;
	s30 =	ssub.s32 s6, s28  }
0xc: {  	s6 =	sor.u32 $0x1C03, s31;
	s12 =	sadd.s32 s29, s2;
	s23 =	sadd.s32 $0xC3800, s11  }
0xd: {  	s9 =	smax.u32 s30, $0x1;
	s11 =	simm.s32 $0x3;
	s10 =	sadd.s32 s5, s7  }
0xe: {  	s5 =	sadd.s32 $0x16000, s7;
	s23 =	sadd.s32 s24, s23;
	s24 =	simm.s32 $0x0  }
0xf: {  	s7 =	sadd.s32 $0xC000, s10;
	s8 =	sadd.s32 $0x2000, s10;
	s10 =	sshrl.u32 s12, $0x3  }
0x10: {  	s12 =	simm.s32 $0x1400;
	s21 =	sadd.s32 $0x280, s7;
	s22 =	sadd.s32 $0x280, s8  }
.LBB2_1:
0x11: {  	[spmem:s10], [sflag:s6] =	dma.local [hbm:s5], $0x2780  }
0x12: {  	_ =	swait.ge [sflag:s11], $0x2780  }
0x13: {  	[sflag:s11] =	ssyncset.done $0x0  }
0x14: {  	[sflag:s11] =	ssyncadd.s32 $0xFFFFD880  }
0x15: {  	[bflag:$0x0] =	sbarrier.arrive $0xFFFF  }
0x16: {  	[tilespmem:s3], [sflag:$0x3] =	stream.linear.gather [hbm4b:s7+s3], $0x1400, $0x38;
	[tilespmem:$0x1E400] =	vst v63  }
0x17: {  	_ =	swait.ge [sflag:s11], $0x1400  }
0x18: {  	[sflag:s11] =	ssyncset.done $0x0  }
0x19: {  	[sflag:s11] =	ssyncadd.s32 $0xFFFFEC00  }
0x1a: {  	[tilespmem:s12], [sflag:$0x3] =	stream.linear.gather [hbm4b:s8+s3], $0x1400, $0x38;
	[tilespmem:$0x1E400] =	vst v63  }
0x1b: {  	_ =	swait.ge [sflag:s11], $0x1400  }
0x1c: {  	[sflag:s11] =	ssyncset.done $0x0  }
0x1d: {  	[sflag:s11] =	ssyncadd.s32 $0xFFFFEC00  }
0x1e: {  	[tilespmem:s14], [sflag:$0x1] =	stream.indirect.gather [hbm4b:s4+s13], $0x80, s3, s13, $0xb8;
	[tilespmem:$0x1E400] =	vst v63  }
0x1f: {  	_ =	swait.ge [sflag:s15], $0x3E80  }
0x20: {  	[sflag:s15] =	ssyncset.done $0x0  }
0x21: {  	s25 =	simm.s32 $0x80;
	[sflag:s15] =	ssyncadd.s32 $0xFFFFC180  }
0x22: {  	[tilespmem:s16], [sflag:$0x2] =	stream.indirect.gather [hbm4b:s4+s13], $0x80, s25, s13, $0xb8;
	[tilespmem:$0x1E400] =	vst v63  }
0x23: {  	s29 =	simm.s32 $0x1400  }
0x24: {  	[spmem:s2] =	stream.indirect.scatter.add.f32 [tilespmem:s14], [sflag:$0x3], $0x80, s29, s13, $0xb8;
	[tilespmem:$0x1E400] =	vst v63  }
0x25: {  	_ =	swait.ge [sflag:s11], $0x3E80  }
0x26: {  	[sflag:s11] =	ssyncset.done $0x0  }
0x27: {  	[sflag:s11] =	ssyncadd.s32 $0xFFFFC180  }
0x28: {  	_ =	swait.ge [sflag:s17], $0x3E80  }
0x29: {  	[sflag:s17] =	ssyncset.done $0x0  }
0x2a: {  	s30 =	simm.s32 $0x100;
	[sflag:s17] =	ssyncadd.s32 $0xFFFFC180  }
0x2b: {  	[tilespmem:s14], [sflag:$0x1] =	stream.indirect.gather [hbm4b:s4+s13], $0x80, s30, s13, $0xb8;
	[tilespmem:$0x1E400] =	vst v63  }
0x2c: {  	s31 =	simm.s32 $0x1480  }
0x2d: {  	[spmem:s2] =	stream.indirect.scatter.add.f32 [tilespmem:s16], [sflag:$0x3], $0x80, s31, s13, $0xb8;
	[tilespmem:$0x1E400] =	vst v63  }
0x2e: {  	_ =	swait.ge [sflag:s11], $0x3E80  }
0x2f: {  	s25 =	simm.s32 $0x400;
	[sflag:s11] =	ssyncset.done $0x0  }
.LBB2_2:
0x30: {  	p0 =	sne.s32 s25, $0x4800  }
0x31: {  	[sflag:s11] =	ssyncadd.s32 $0xFFFFC180;
	s26 =	smov.u32 s25;
	s25 =	sadd.s32 $0x400, s25  }
0x32: {  	_ = 	snop  }
0x33: {  	_ =	swait.ge [sflag:s15], $0x3E80  }
0x34: {  	s26 =	sshra.s32 s26, $0x2;
	[sflag:s15] =	ssyncset.done $0x0  }
0x35: {  	s28 =	sadd.s32 $0x80, s26;
	[sflag:s15] =	ssyncadd.s32 $0xFFFFC180  }
0x36: {  	[tilespmem:s16], [sflag:$0x2] =	stream.indirect.gather [hbm4b:s4+s13], $0x80, s28, s13, $0xb8;
	[tilespmem:$0x1E400] =	vst v63  }
0x37: {  	s28 =	sadd.s32 $0x1400, s26  }
0x38: {  	[spmem:s2] =	stream.indirect.scatter.add.f32 [tilespmem:s14], [sflag:$0x3], $0x80, s28, s13, $0xb8;
	[tilespmem:$0x1E400] =	vst v63  }
0x39: {  	_ =	swait.ge [sflag:s11], $0x3E80  }
0x3a: {  	[sflag:s11] =	ssyncset.done $0x0  }
0x3b: {  	[sflag:s11] =	ssyncadd.s32 $0xFFFFC180  }
0x3c: {  	_ =	swait.ge [sflag:s17], $0x3E80  }
0x3d: {  	[sflag:s17] =	ssyncset.done $0x0  }
0x3e: {  	s28 =	sadd.s32 $0x100, s26;
	[sflag:s17] =	ssyncadd.s32 $0xFFFFC180  }
0x3f: {  	[tilespmem:s14], [sflag:$0x1] =	stream.indirect.gather [hbm4b:s4+s13], $0x80, s28, s13, $0xb8;
	[tilespmem:$0x1E400] =	vst v63  }
.Ltmp0:
0x40: {  	_ = 	snop;
	(pc) =	sbr.rel @p0 .LBB2_2-.Ltmp0, $4  }
0x41: {  	s26 =	sadd.s32 $0x1480, s26  }
0x42: {  	[spmem:s2] =	stream.indirect.scatter.add.f32 [tilespmem:s16], [sflag:$0x3], $0x80, s26, s13, $0xb8;
	[tilespmem:$0x1E400] =	vst v63  }
0x43: {  	_ =	swait.ge [sflag:s11], $0x3E80  }
0x44: {  	[sflag:s11] =	ssyncset.done $0x0  }
0x45: {  	[sflag:s11] =	ssyncadd.s32 $0xFFFFC180  }
0x46: {  	_ =	swait.ge [sflag:s15], $0x3E80  }
0x47: {  	[sflag:s15] =	ssyncset.done $0x0  }
0x48: {  	[sflag:s15] =	ssyncadd.s32 $0xFFFFC180  }
0x49: {  	[tilespmem:s16], [sflag:$0x2] =	stream.indirect.gather [hbm4b:s4+s13], $0x80, s18, s13, $0xb8;
	[tilespmem:$0x1E400] =	vst v63  }
0x4a: {  	_ = 	snop  }
0x4b: {  	[spmem:s2] =	stream.indirect.scatter.add.f32 [tilespmem:s14], [sflag:$0x3], $0x80, s19, s13, $0xb8;
	[tilespmem:$0x1E400] =	vst v63  }
0x4c: {  	_ =	swait.ge [sflag:s11], $0x3E80  }
0x4d: {  	[sflag:s11] =	ssyncset.done $0x0  }
0x4e: {  	[sflag:s11] =	ssyncadd.s32 $0xFFFFC180  }
0x4f: {  	_ =	swait.ge [sflag:s17], $0x3E80  }
0x50: {  	[sflag:s17] =	ssyncset.done $0x0  }
0x51: {  	[sflag:s17] =	ssyncadd.s32 $0xFFFFC180  }
0x52: {  	[spmem:s2] =	stream.indirect.scatter.add.f32 [tilespmem:s16], [sflag:$0x3], $0x80, s20, s13, $0xb8;
	[tilespmem:$0x1E400] =	vst v63  }
0x53: {  	_ =	swait.ge [sflag:s11], $0x3E80  }
0x54: {  	[sflag:s11] =	ssyncset.done $0x0  }
0x55: {  	s25 =	simm.s32 $0x0;
	[sflag:s11] =	ssyncadd.s32 $0xFFFFC180  }
0x56: {  	[tilespmem:s25], [sflag:$0x3] =	stream.linear.gather [hbm4b:s21+s25], $0x1400, $0x38;
	[tilespmem:$0x1E400] =	vst v63  }
0x57: {  	_ =	swait.ge [sflag:s11], $0x1400  }
0x58: {  	[sflag:s11] =	ssyncset.done $0x0  }
0x59: {  	[sflag:s11] =	ssyncadd.s32 $0xFFFFEC00  }
0x5a: {  	[tilespmem:s12], [sflag:$0x3] =	stream.linear.gather [hbm4b:s22+s25], $0x1400, $0x38;
	[tilespmem:$0x1E400] =	vst v63  }
0x5b: {  	_ =	swait.ge [sflag:s11], $0x1400  }
0x5c: {  	[sflag:s11] =	ssyncset.done $0x0  }
0x5d: {  	[sflag:s11] =	ssyncadd.s32 $0xFFFFEC00  }
0x5e: {  	[tilespmem:s14], [sflag:$0x1] =	stream.indirect.gather [hbm4b:s4+s13], $0x80, s25, s13, $0xb8;
	[tilespmem:$0x1E400] =	vst v63  }
0x5f: {  	_ =	swait.ge [sflag:s15], $0x3E80  }
0x60: {  	[sflag:s15] =	ssyncset.done $0x0  }
0x61: {  	s28 =	simm.s32 $0x80;
	[sflag:s15] =	ssyncadd.s32 $0xFFFFC180  }
0x62: {  	[tilespmem:s16], [sflag:$0x2] =	stream.indirect.gather [hbm4b:s4+s13], $0x80, s28, s13, $0xb8;
	[tilespmem:$0x1E400] =	vst v63  }
0x63: {  	s29 =	simm.s32 $0x1400  }
0x64: {  	[spmem:s2] =	stream.indirect.scatter.add.f32 [tilespmem:s14], [sflag:$0x3], $0x80, s29, s13, $0xb8;
	[tilespmem:$0x1E400] =	vst v63  }
0x65: {  	_ =	swait.ge [sflag:s11], $0x3E80  }
0x66: {  	[sflag:s11] =	ssyncset.done $0x0  }
0x67: {  	[sflag:s11] =	ssyncadd.s32 $0xFFFFC180  }
0x68: {  	_ =	swait.ge [sflag:s17], $0x3E80  }
0x69: {  	[sflag:s17] =	ssyncset.done $0x0  }
0x6a: {  	s30 =	simm.s32 $0x100;
	[sflag:s17] =	ssyncadd.s32 $0xFFFFC180  }
0x6b: {  	[tilespmem:s14], [sflag:$0x1] =	stream.indirect.gather [hbm4b:s4+s13], $0x80, s30, s13, $0xb8;
	[tilespmem:$0x1E400] =	vst v63  }
0x6c: {  	s31 =	simm.s32 $0x1480  }
0x6d: {  	[spmem:s2] =	stream.indirect.scatter.add.f32 [tilespmem:s16], [sflag:$0x3], $0x80, s31, s13, $0xb8;
	[tilespmem:$0x1E400] =	vst v63  }
0x6e: {  	_ =	swait.ge [sflag:s11], $0x3E80  }
0x6f: {  	s25 =	simm.s32 $0x400;
	[sflag:s11] =	ssyncset.done $0x0  }
.LBB2_4:
0x70: {  	p0 =	sne.s32 s25, $0x4800  }
0x71: {  	[sflag:s11] =	ssyncadd.s32 $0xFFFFC180;
	s26 =	smov.u32 s25;
	s25 =	sadd.s32 $0x400, s25  }
0x72: {  	_ = 	snop  }
0x73: {  	_ =	swait.ge [sflag:s15], $0x3E80  }
0x74: {  	s26 =	sshra.s32 s26, $0x2;
	[sflag:s15] =	ssyncset.done $0x0  }
0x75: {  	s28 =	sadd.s32 $0x80, s26;
	[sflag:s15] =	ssyncadd.s32 $0xFFFFC180  }
0x76: {  	[tilespmem:s16], [sflag:$0x2] =	stream.indirect.gather [hbm4b:s4+s13], $0x80, s28, s13, $0xb8;
	[tilespmem:$0x1E400] =	vst v63  }
0x77: {  	s28 =	sadd.s32 $0x1400, s26  }
0x78: {  	[spmem:s2] =	stream.indirect.scatter.add.f32 [tilespmem:s14], [sflag:$0x3], $0x80, s28, s13, $0xb8;
	[tilespmem:$0x1E400] =	vst v63  }
0x79: {  	_ =	swait.ge [sflag:s11], $0x3E80  }
0x7a: {  	[sflag:s11] =	ssyncset.done $0x0  }
0x7b: {  	[sflag:s11] =	ssyncadd.s32 $0xFFFFC180  }
0x7c: {  	_ =	swait.ge [sflag:s17], $0x3E80  }
0x7d: {  	[sflag:s17] =	ssyncset.done $0x0  }
0x7e: {  	s28 =	sadd.s32 $0x100, s26;
	[sflag:s17] =	ssyncadd.s32 $0xFFFFC180  }
0x7f: {  	[tilespmem:s14], [sflag:$0x1] =	stream.indirect.gather [hbm4b:s4+s13], $0x80, s28, s13, $0xb8;
	[tilespmem:$0x1E400] =	vst v63  }
.Ltmp1:
0x80: {  	_ = 	snop;
	(pc) =	sbr.rel @p0 .LBB2_4-.Ltmp1, $4  }
0x81: {  	s26 =	sadd.s32 $0x1480, s26  }
0x82: {  	[spmem:s2] =	stream.indirect.scatter.add.f32 [tilespmem:s16], [sflag:$0x3], $0x80, s26, s13, $0xb8;
	[tilespmem:$0x1E400] =	vst v63  }
0x83: {  	_ =	swait.ge [sflag:s11], $0x3E80  }
0x84: {  	[sflag:s11] =	ssyncset.done $0x0  }
0x85: {  	[sflag:s11] =	ssyncadd.s32 $0xFFFFC180  }
0x86: {  	_ =	swait.ge [sflag:s15], $0x3E80  }
0x87: {  	[sflag:s15] =	ssyncset.done $0x0  }
0x88: {  	[sflag:s15] =	ssyncadd.s32 $0xFFFFC180  }
0x89: {  	[tilespmem:s16], [sflag:$0x2] =	stream.indirect.gather [hbm4b:s4+s13], $0x80, s18, s13, $0xb8;
	[tilespmem:$0x1E400] =	vst v63  }
0x8a: {  	_ = 	snop  }
0x8b: {  	[spmem:s2] =	stream.indirect.scatter.add.f32 [tilespmem:s14], [sflag:$0x3], $0x80, s19, s13, $0xb8;
	[tilespmem:$0x1E400] =	vst v63  }
0x8c: {  	_ =	swait.ge [sflag:s11], $0x3E80  }
0x8d: {  	[sflag:s11] =	ssyncset.done $0x0  }
0x8e: {  	[sflag:s11] =	ssyncadd.s32 $0xFFFFC180  }
0x8f: {  	_ =	swait.ge [sflag:s17], $0x3E80  }
0x90: {  	[sflag:s17] =	ssyncset.done $0x0  }
0x91: {  	[sflag:s17] =	ssyncadd.s32 $0xFFFFC180  }
0x92: {  	[spmem:s2] =	stream.indirect.scatter.add.f32 [tilespmem:s16], [sflag:$0x3], $0x80, s20, s13, $0xb8;
	[tilespmem:$0x1E400] =	vst v63  }
0x93: {  	_ =	swait.ge [sflag:s11], $0x3E80  }
0x94: {  	s24 =	sadd.s32 $0x1, s24;
	[sflag:s11] =	ssyncset.done $0x0  }
0x95: {  	p0 =	sne.s32 s24, s9;
	[sflag:s11] =	ssyncadd.s32 $0xFFFFC180  }
.Ltmp2:
0x96: {  	[bflag:$0x0] =	sbarrier.arrive $0xFFFF;
	(pc) =	sbr.rel @p0 .LBB2_1-.Ltmp2, $4  }
0x97: {  	[hbm:s23], [sflag:s6] =	dma.local [spmem:s10], $0x2780  }
0x98: {  	_ =	swait.ge [sflag:s11], $0x2780  }
0x99: {  	[sflag:s11] =	ssyncset.done $0x0  }
0x9a: {  	[sflag:s11] =	ssyncadd.s32 $0xFFFFD880  }
0x9b: {  	_ =	sfence.sel $0x180000  }
0x9c: {  	[bflag:$0x0] =	sbarrier.arrive $0xFFFF  }
0x9d: {  	p0 =	sne.s32 s0, $0x0;
	_ =	strace $0x9000004D  }
0x9e: {  	s0 =	sadd.s32 @!p0 $0x100000, s1;
	[bflag:$0x2] =	sbarrier.arrive $0xFFFF  }
0x9f: {  	[sflag:s0] =	ssyncadd.tile.s32 @!p0 $0x1;
	_ =	shalt  }
.Lfunc_end2:
_tile_overlayer_lowered:
.L_overlay_start_2:
0xa0: {  	(tag) =	ssettag $0x2  }
0xa1: {  	s0 =	rddreg [dreg:$0x0];
	s2 =	stileid.u32  }
0xa2: {  	s1 =	rddreg [dreg:$0x1];
	p0 =	sne.s32 s2, $0x0  }
0xa3: {  	s3 =	rddreg [dreg:$0x2];
	[bflag:$0x3] =	sbarrier.arrive $0xFFFF;
	s2 =	simm.s32 @!p0 $0x1C03  }
0xa4: {  	[timem:s3], [sflag:s2] =	dma.local @!p0 [hbm:s0], s1  }
0xa5: {  	s0 =	simm.s32 @!p0 $0x3  }
0xa6: {  	_ =	swait.ge @!p0 [sflag:s0], s1  }
0xa7: {  	s1 =	ssub.s32 @!p0 $0x0, s1;
	[sflag:s0] =	ssyncset.done @!p0 $0x0  }
0xa8: {  	[sflag:s0] =	ssyncadd.s32 @!p0 s1  }
0xa9: {  	[bflag:$0x3] =	sbarrier.arrive $0xFFFF  }
0xaa: {  	_ =	shalt  }

// kernel: kernel.7.cloned.1.call-start
scs
__scs_entry_jumppad:
0x0: {  	(pc) =	sbr.rel $0x88, $3  }
0x1: {  	(tag) =	ssettag $0x0;
	lr =	simm.s32 $0x1  }
0x2: {  	[smem:$0x3F97] =	sst lr;
	_ =	strace $0xD0000000  }
0x3: {  	_ = 	snop  }
0x4: {  	_ = 	snop  }
0x5: {  	_ = 	snop  }
0x6: {  	_ = 	snop  }
0x7: {  	_ = 	snop  }
__scs_overlays_trampoline_lowered:
0x8: {  	[smem:$0x3FA6] =	sst s0  }
0x9: {  	[smem:$0x3FA7] =	sst s1  }
0xa: {  	[smem:$0x3FA8] =	sst s2  }
0xb: {  	[smem:$0x3FA9] =	sst s3  }
0xc: {  	[smem:$0x3FAA] =	sst s4  }
0xd: {  	[smem:$0x3FAB] =	sst s5  }
0xe: {  	[smem:$0x3FAC] =	sst s6  }
0xf: {  	[smem:$0x3FAD] =	sst s7  }
0x10: {  	[smem:$0x3FAE] =	sst s8  }
0x11: {  	[smem:$0x3FAF] =	sst s9;
	s0 =	simm.s32 @!p0 $0x0  }
0x12: {  	s1 =	sld [smem:$0x3F95];
	s0 =	simm.s32 @p0 $0x1  }
0x13: {  	[smem:$0x3FB0] =	sst s0;
	s0 =	simm.s32 @!p1 $0x0  }
0x14: {  	s2 =	sld [smem:$0x3F94];
	s0 =	simm.s32 @p1 $0x1  }
0x15: {  	[smem:$0x3FB1] =	sst s0;
	s0 =	simm.s32 @!p2 $0x0  }
0x16: {  	s3 =	sld [smem:$0x3FDB];
	s0 =	simm.s32 @p2 $0x1  }
0x17: {  	s4 =	simm.s32 $0x1BF5;
	[smem:$0x3FB3] =	sst s0  }
0x18: {  	s0 =	sld [smem:$0x3F96];
	_ =	swait.ge [sflag:s4], $0x0  }
0x19: {  	s7 =	sld [smem:$0x3F97]  }
0x1a: {  	s8 =	sadd.s32 $0xFFFFE003, lr  }
0x1b: {  	s9 =	sadd.s32 $0xFFFFFEF7, lr;
	s5 =	simm.s32 $0xFFFFFFFF;
	p2 =	slt.u32 s8, $0xFFFFF086  }
0x1c: {  	p1 =	slt.u32 s9, $0xF7A;
	s5 =	simm.s32 @!p2 $0x0  }
0x1d: {  	s5 =	simm.s32 @p1 $0x1;
	p0 =	seq.s32 s7, s2  }
0x1e: {  	s7 =	smul.u32 @!p0 $0xF7A, s2;
	p2 =	seq.s32 @!p0 s5, $0x0  }
0x1f: {  	s9 =	smul.u32 $0xF7A, s1;
	s8 =	simm.s32 @!p0 $0x1BF5;
	p2 =	por !p2, p0  }
0x20: {  	[sflag:s8] =	ssyncset.s32 @!p0 $0xFFFFF086;
	s6 =	sadd.s32 @!p0 s3, s7;
	s7 =	simm.s32 @!p0 $0x108  }
0x21: {  	s3 =	sadd.s32 s3, s9;
	s6 =	sadd.s32 @!p0 $0x88, s6;
	s7 =	simm.s32 @p2 $0x1082  }
0x22: {  	[simem:s7], [sflag:s8] =	dma.local @!p0 [hbm:s6], $0xF7A  }
0x23: {  	s9 =	sor.u32 $0xD0000000, s2;
	s6 =	simm.s32 $0x108;
	_ =	swait.ge @!p0 [sflag:s8], $0x0  }
0x24: {  	s3 =	sadd.s32 $0x88, s3;
	s6 =	simm.s32 @!p1 $0x1082;
	[sflag:s4] =	ssyncset.s32 $0xFFFFF086  }
0x25: {  	[simem:s6], [sflag:s4] =	dma.local [hbm:s3], $0xF7A  }
0x26: {  	[smem:$0x3F97] =	sst s1;
	(tag) =	ssettag s2;
	_ =	strace s9  }
0x27: {  	s1 =	sld [smem:$0x3FA7]  }
0x28: {  	s2 =	sld [smem:$0x3FA8]  }
0x29: {  	s4 =	sld [smem:$0x3FAA]  }
0x2a: {  	p0 =	seq.s32 s5, $0x0;
	s5 =	sld [smem:$0x3FAB]  }
0x2b: {  	s6 =	sld [smem:$0x3FAC]  }
0x2c: {  	s7 =	sld [smem:$0x3FAD]  }
0x2d: {  	s3 =	simm.s32 $0x108;
	s8 =	sld [smem:$0x3FAE]  }
0x2e: {  	s3 =	simm.s32 @!p0 $0x1082;
	s9 =	sld [smem:$0x3FAF]  }
0x2f: {  	lr =	sadd.s32 s0, s3;
	s0 =	sld [smem:$0x3FA6]  }
0x30: {  	s3 =	sld [smem:$0x3FA9]  }
0x31: {  	[smem:$0x3FB2] =	sst s10  }
0x32: {  	s10 =	sld [smem:$0x3FB0];
	_ =	sdelay $0x3  }
0x33: {  	p0 =	seq.s32 s10, $0x1;
	s10 =	sld [smem:$0x3FB2];
	_ =	sdelay $0x3  }
0x34: {  	[smem:$0x3FB2] =	sst s10  }
0x35: {  	s10 =	sld [smem:$0x3FB1];
	_ =	sdelay $0x3  }
0x36: {  	p1 =	seq.s32 s10, $0x1;
	s10 =	sld [smem:$0x3FB2];
	_ =	sdelay $0x3  }
0x37: {  	[smem:$0x3FB2] =	sst s10  }
0x38: {  	s10 =	sld [smem:$0x3FB3]  }
0x39: {  	_ = 	snop;
	(pc) =	sbr.ind lr, $3  }
0x3a: {  	_ = 	snop  }
0x3b: {  	_ = 	snop  }
0x3c: {  	p2 =	seq.s32 s10, $0x1;
	s10 =	sld [smem:$0x3FB2]  }
0x3d: {  	_ =	shalt  }
0x3e: {  	_ =	shalt  }
0x3f: {  	_ =	shalt  }
0x40: {  	_ =	shalt  }
0x41: {  	_ =	shalt  }
0x42: {  	_ =	shalt  }
0x43: {  	_ =	shalt  }
0x44: {  	_ =	shalt  }
0x45: {  	_ =	shalt  }
0x46: {  	_ =	shalt  }
0x47: {  	_ =	shalt  }
0x48: {  	_ =	shalt  }
0x49: {  	_ =	shalt  }
0x4a: {  	_ =	shalt  }
0x4b: {  	_ =	shalt  }
0x4c: {  	_ =	shalt  }
0x4d: {  	_ =	shalt  }
0x4e: {  	_ =	shalt  }
0x4f: {  	_ =	shalt  }
0x50: {  	_ =	shalt  }
0x51: {  	_ =	shalt  }
0x52: {  	_ =	shalt  }
0x53: {  	_ =	shalt  }
0x54: {  	_ =	shalt  }
0x55: {  	_ =	shalt  }
0x56: {  	_ =	shalt  }
0x57: {  	_ =	shalt  }
0x58: {  	_ =	shalt  }
0x59: {  	_ =	shalt  }
0x5a: {  	_ =	shalt  }
0x5b: {  	_ =	shalt  }
0x5c: {  	_ =	shalt  }
0x5d: {  	_ =	shalt  }
0x5e: {  	_ =	shalt  }
0x5f: {  	_ =	shalt  }
0x60: {  	_ =	shalt  }
0x61: {  	_ =	shalt  }
0x62: {  	_ =	shalt  }
0x63: {  	_ =	shalt  }
0x64: {  	_ =	shalt  }
0x65: {  	_ =	shalt  }
0x66: {  	_ =	shalt  }
0x67: {  	_ =	shalt  }
0x68: {  	_ =	shalt  }
0x69: {  	_ =	shalt  }
0x6a: {  	_ =	shalt  }
0x6b: {  	_ =	shalt  }
0x6c: {  	_ =	shalt  }
0x6d: {  	_ =	shalt  }
0x6e: {  	_ =	shalt  }
0x6f: {  	_ =	shalt  }
0x70: {  	_ =	shalt  }
0x71: {  	_ =	shalt  }
0x72: {  	_ =	shalt  }
0x73: {  	_ =	shalt  }
0x74: {  	_ =	shalt  }
0x75: {  	_ =	shalt  }
0x76: {  	_ =	shalt  }
0x77: {  	_ =	shalt  }
0x78: {  	_ =	shalt  }
0x79: {  	_ =	shalt  }
0x7a: {  	_ =	shalt  }
0x7b: {  	_ =	shalt  }
0x7c: {  	_ =	shalt  }
0x7d: {  	_ =	shalt  }
0x7e: {  	_ =	shalt  }
0x7f: {  	_ =	shalt  }
0x80: {  	_ =	shalt  }
0x81: {  	_ =	shalt  }
0x82: {  	_ =	shalt  }
0x83: {  	_ =	shalt  }
0x84: {  	_ =	shalt  }
0x85: {  	_ =	shalt  }
0x86: {  	_ =	shalt  }
0x87: {  	_ =	shalt  }
.Lfunc_end0:
.L_simem_size_0:
called_computation_lowered:
.L_overlay_start_0:
0x88: {  	s2 =	sld [smem:$0x3FD9]  }
0x89: {  	s3 =	sld [smem:$0x3FFE];
	_ =	sdelay $0x1  }
0x8a: {  	s1 =	srdreg.scid  }
0x8b: {  	s0 =	sand.u32 $0x1, s1  }
0x8c: {  	s17 =	sshll.u32 s0, $0xA;
	s2 =	sadd.s32 s3, s2  }
0x8d: {  	s2 =	sadd.s32 s2, s17  }
0x8e: {  	[smem:$0x3FBE] =	sst s2  }
0x8f: {  	_ = 	snop  }
0x90: {  	(tm) =	ssettm $0x1  }
0x91: {  	s18 =	sld [smem:$0x3FFB];
	_ =	sdelay $0x3  }
0x92: {  	_ =	strace s18  }
0x93: {  	s2 =	sld [smem:$0x3FFC];
	_ =	sdelay $0x3  }
0x94: {  	_ =	strace s2  }
0x95: {  	s2 =	sld [smem:$0x3FFD];
	_ =	sdelay $0x3  }
0x96: {  	_ =	strace s2  }
0x97: {  	_ =	strace $0x8FFFFFFF  }
0x98: {  	s19 =	sld [smem:$0x3FDB];
	_ =	sdelay $0x1  }
0x99: {  	s20 =	simm.s32 $_scs_section_size  }
0x9a: {  	s4 =	simm.s32 $_size__tile_overlayer_lowered;
	s5 =	simm.s32 $_tile_overlayer_lowered  }
0x9b: {  	s6 =	simm.s32 $0x1BFF;
	s21 =	sshll.u32 s5, $0x1;
	s3 =	sadd.s32 s20, s19  }
0x9c: {  	s22 =	simm.s32 $0x0;
	s4 =	sshll.u32 s4, $0x1;
	s5 =	sadd.s32 s21, s3  }
0x9d: {  	[timem:s22], [sflag:s6] =	dma.local [hbm:s5], s4  }
0x9e: {  	_ =	swait.ge [sflag:s6], s4  }
0x9f: {  	s4 =	ssub.s32 $0x0, s4;
	[sflag:s6] =	ssyncset.done $0x0  }
0xa0: {  	[sflag:s6] =	ssyncadd.s32 s4;
	_ =	sdelay $0x1  }
0xa1: {  	s23 =	simm.s32 $0x1B8B  }
0xa2: {  	_ =	swait.ge [sflag:s23], $0x1  }
0xa3: {  	[sflag:s23] =	ssyncset.done $0x0  }
0xa4: {  	[sflag:s23] =	ssyncadd.s32 $0xFFFFFFFF  }
0xa5: {  	s4 =	sld [smem:$0x0]  }
0xa6: {  	s5 =	sand.u32 $0xFFFFFFFE, s1  }
0xa7: {  	p0 =	sne.s32 s1, s5  }
0xa8: {  	s5 =	sshll.u32 @p0 s5, $0xE  }
0xa9: {  	s5 =	sadd.s32 @p0 $0x11B8D, s5;
	s6 =	sshll.u32 @p0 s4, $0x11  }
0xaa: {  	s5 =	sor.u32 @p0 s6, s5  }
0xab: {  	[sflag:s5] =	ssyncadd.remote.s32 @p0 $0x1;
	_ =	sdelay $0x1  }
0xac: {  	s5 =	simm.s32 @p0 $0x1B8D  }
0xad: {  	_ =	swait.eq @p0 [sflag:s5], $0x1  }
0xae: {  	[sflag:s5] =	ssyncadd.s32 @p0 $0xFFFFFFFF  }
0xaf: {  	s6 =	sshll.u32 @!p0 s1, $0xE  }
0xb0: {  	s6 =	sor.u32 @!p0 $0x4000, s6;
	s5 =	simm.s32 @!p0 $0x1B8D  }
0xb1: {  	s4 =	sshll.u32 @!p0 s4, $0x11;
	s6 =	sadd.s32 @!p0 $0x11B8D, s6;
	_ =	swait.eq @!p0 [sflag:s5], $0x1  }
0xb2: {  	s4 =	sor.u32 @!p0 s4, s6;
	[sflag:s5] =	ssyncadd.s32 @!p0 $0xFFFFFFFF  }
0xb3: {  	s25 =	simm.s32 $0x1B8E;
	s24 =	sld [smem:$0x3FFE];
	[sflag:s4] =	ssyncadd.remote.s32 @!p0 $0x1  }
0xb4: {  	s26 =	simm.s32 $execute0_lowered;
	[smem:$0x3FD2] =	sst s25  }
0xb5: {  	s5 =	sshll.u32 s26, $0x1;
	_ =	strace $0x80000049;
	[dreg:$0x1] =	wrdreg $0xFFFFFFFF  }
0xb6: {  	s28 =	simm.s32 $_size_execute0_lowered;
	s3 =	sadd.s32 s3, s5;
	[dreg:$0x0] =	wrdreg $0x0  }
0xb7: {  	s5 =	sshll.u32 s28, $0x1;
	[dreg:$0x2] =	wrdreg s3  }
0xb8: {  	[dreg:$0x3] =	wrdreg s5  }
0xb9: {  	[dreg:$0x4] =	wrdreg $0xC0  }
0xba: {  	_ =	task [dreg:s22], $0x5FFFF  }
0xbb: {  	[dreg:$0x1] =	wrdreg $0xFFFFFFFF  }
0xbc: {  	[dreg:$0x0] =	wrdreg $0x60  }
0xbd: {  	[dreg:$0x2] =	wrdreg s24  }
0xbe: {  	[dreg:$0x3] =	wrdreg $0x68000  }
0xbf: {  	[dreg:$0x4] =	wrdreg $0x9  }
0xc0: {  	_ =	task.clear_ibuf [dreg:s22], $0x5FFFF;
	_ =	strace $0x90000049  }
0xc1: {  	s29 =	simm.s32 $0x9;
	_ =	strace $0x8000004B  }
0xc2: {  	_ =	swait.ge [sflag:s29], $0x1  }
0xc3: {  	[sflag:s29] =	ssyncadd.s32 $0xFFFFFFFF  }
0xc4: {  	_ =	strace $0x9000004B  }
0xc5: {  	_ =	sfence  }
0xc6: {  	s30 =	sld [smem:$0x0];
	_ =	sdelay $0x2  }
0xc7: {  	s31 =	sshll.u32 s1, $0xD;
	s1 =	sshrl.u32 s1, $0x2  }
0xc8: {  	s4 =	sand.u32 $0x4000, s31;
	s1 =	sadd.s32 s1, s30  }
0xc9: {  	s0 =	sor.u32 s4, s0;
	s1 =	sshll.u32 s1, $0x11  }
0xca: {  	s0 =	sor.u32 s1, s0  }
0xcb: {  	s0 =	sadd.s32 $0x8F2B, s0  }
0xcc: {  	[sflag:s0] =	ssyncadd.remote.s32 $0x1  }
0xcd: {  	_ =	sfence.sel $0xFFFF  }
0xce: {  	[dreg:$0x0] =	wrdreg $0xFFFFFFFF;
	(pc) =	sbr.abs _section_cstart, $3  }
0xcf: {  	[dreg:$0x1] =	wrdreg $0xFFFFFFFF  }
0xd0: {  	_ =	task.clear_ibuf [dreg:s22], $0x2FFFF;
	_ =	strace $0x9FFFFFFF  }
0xd1: {  	(tm) =	ssettm $0x7FFFFFFF  }
tec
execute0_lowered:
.L_overlay_start_1:
0x0: {  	(tag) =	ssettag $0x1  }
0x1: {  	s7 =	rddreg [dreg:$0x0]  }
0x2: {  	s0 =	srdreg.scid;
	s2 =	rddreg [dreg:$0x1]  }
0x3: {  	s3 =	simm.s32 $0x0;
	s12 =	simm.s32 $0x7D;
	s6 =	sand.u32 $0x1, s0  }
0x4: {  	s13 =	simm.s32 $0x1;
	s0 =	stileid.u32;
	s8 =	smul.u32 $0x27800, s6  }
0x5: {  	[smem:$0x7FF] =	sst s3;
	s5 =	sadd.s32 $0x74000, s7;
	s10 =	smul.u32 $0x4F000, s0  }
0x6: {  	s1 =	sshll.u32 s6, $0x4;
	s6 =	ssub.s32 $0x2, s6;
	s15 =	smul.u32 $0x2780, s0  }
0x7: {  	s31 =	sshll.u32 s0, $0x6;
	s4 =	sor.u32 s0, s1;
	s1 =	rddreg [dreg:$0x2]  }
0x8: {  	_ =	strace $0x8000004A;
	s4 =	smul.u32 $0x500, s4;
	s10 =	sshrl.u32 s10, $0x2  }
0x9: {  	s30 =	sshrl.u32 s6, $0x1;
	s11 =	sadd.s32 s10, s2;
	s10 =	sor.u32 $0x1C02, s31  }
0xa: {  	s9 =	sadd.s32 s4, s7;
	s4 =	sadd.s32 $0x71800, s7;
	s7 =	sadd.s32 s8, s7  }
0xb: {  	s8 =	ssub.s32 s6, s30;
	s11 =	sshrl.u32 s11, $0x3;
	s6 =	sadd.s32 $0x67800, s9  }
0xc: {  	s14 =	sadd.s32 $0x74800, s7;
	s7 =	smax.u32 s8, $0x1;
	s8 =	simm.s32 $0x2  }
0xd: {  	s9 =	simm.s32 $0x2800;
	s14 =	sadd.s32 s15, s14;
	s15 =	simm.s32 $0x0  }
.LBB2_1:
0xe: {  	[tilespmem:s3], [sflag:$0x2] =	stream.linear.gather [hbm4b:s6+s3], $0x2800, $0x38;
	[tilespmem:$0x8F80] =	vst v63  }
0xf: {  	_ =	swait.ge [sflag:s8], $0x2800  }
0x10: {  	[sflag:s8] =	ssyncset.done $0x0  }
0x11: {  	[sflag:s8] =	ssyncadd.s32 $0xFFFFD800  }
0x12: {  	[tilespmem:s9], [sflag:$0x2] =	stream.linear.gather [hbm4b:s5+s3], $0x3E80, $0x38;
	[tilespmem:$0x8F80] =	vst v63  }
0x13: {  	_ =	swait.ge [sflag:s8], $0x3E80  }
0x14: {  	[sflag:s8] =	ssyncset.done $0x0  }
0x15: {  	[sflag:s8] =	ssyncadd.s32 $0xFFFFC180  }
0x16: {  	[spmem:s11], [sflag:s10] =	dma.local [hbm:s4], $0x2780  }
0x17: {  	_ =	swait.ge [sflag:s8], $0x2780  }
0x18: {  	[sflag:s8] =	ssyncset.done $0x0  }
0x19: {  	[sflag:s8] =	ssyncadd.s32 $0xFFFFD880  }
0x1a: {  	s16 =	simm.s32 $0x0;
	[bflag:$0x0] =	sbarrier.arrive $0xFFFF  }
.LBB2_2:
0x1b: {  	p0 =	sne.s32 s16, $0x9E00  }
.Ltmp0:
0x1c: {  	_ = 	snop;
	(pc) =	sbr.rel @p0 .LBB2_2-.Ltmp0, $3  }
0x1d: {  	_ =	sdelay $0x1  }
0x1e: {  	s17 =	sshra.s32 s16, $0x2;
	s16 =	sadd.s32 $0x200, s16  }
0x1f: {  	[spmem:s2] =	stream.indirect.scatter.add.f32 [tilespmem:s9], [sflag:$0x1], $0x10, s17, s12, $0xb8;
	[tilespmem:$0x8F80] =	vst v63  }
0x20: {  	_ =	swait.ge [sflag:s13], $0x7D0  }
0x21: {  	s16 =	simm.s32 $0x4F;
	[sflag:s13] =	ssyncset.done $0x0  }
.LBB2_4:
0x22: {  	p0 =	sne.s32 s16, $0x1;
	s16 =	sadd.s32 $0xFFFFFFFF, s16;
	[sflag:s13] =	ssyncadd.s32 $0xFFFFF830  }
.Ltmp1:
0x23: {  	(pc) =	sbr.rel @p0 .LBB2_4-.Ltmp1, $3  }
0x24: {  	_ =	sdelay $0x1  }
0x25: {  	_ =	swait.ge [sflag:s13], $0x7D0  }
0x26: {  	[sflag:s13] =	ssyncset.done $0x0  }
0x27: {  	s15 =	sadd.s32 $0x1, s15  }
0x28: {  	[sflag:s13] =	ssyncadd.s32 $0xFFFFF830;
	p0 =	sne.s32 s15, s7  }
.Ltmp2:
0x29: {  	[bflag:$0x0] =	sbarrier.arrive $0xFFFF;
	(pc) =	sbr.rel @p0 .LBB2_1-.Ltmp2, $4  }
0x2a: {  	[hbm:s14], [sflag:s10] =	dma.local [spmem:s11], $0x2780  }
0x2b: {  	_ =	swait.ge [sflag:s8], $0x2780  }
0x2c: {  	[sflag:s8] =	ssyncset.done $0x0  }
0x2d: {  	[sflag:s8] =	ssyncadd.s32 $0xFFFFD880  }
0x2e: {  	_ =	sfence.sel $0x180000  }
0x2f: {  	[bflag:$0x0] =	sbarrier.arrive $0xFFFF  }
0x30: {  	p0 =	sne.s32 s0, $0x0;
	_ =	strace $0x9000004A  }
0x31: {  	s0 =	sadd.s32 @!p0 $0x100000, s1;
	[bflag:$0x2] =	sbarrier.arrive $0xFFFF  }
0x32: {  	[sflag:s0] =	ssyncadd.tile.s32 @!p0 $0x1;
	_ =	shalt  }
.Lfunc_end2:
_tile_overlayer_lowered:
.L_overlay_start_2:
0x33: {  	(tag) =	ssettag $0x2  }
0x34: {  	s0 =	rddreg [dreg:$0x0];
	s2 =	stileid.u32  }
0x35: {  	s1 =	rddreg [dreg:$0x1];
	p0 =	sne.s32 s2, $0x0  }
0x36: {  	s3 =	rddreg [dreg:$0x2];
	[bflag:$0x3] =	sbarrier.arrive $0xFFFF;
	s2 =	simm.s32 @!p0 $0x1C02  }
0x37: {  	[timem:s3], [sflag:s2] =	dma.local @!p0 [hbm:s0], s1  }
0x38: {  	s0 =	simm.s32 @!p0 $0x2  }
0x39: {  	_ =	swait.ge @!p0 [sflag:s0], s1  }
0x3a: {  	s1 =	ssub.s32 @!p0 $0x0, s1;
	[sflag:s0] =	ssyncset.done @!p0 $0x0  }
0x3b: {  	[sflag:s0] =	ssyncadd.s32 @!p0 s1  }
0x3c: {  	[bflag:$0x3] =	sbarrier.arrive $0xFFFF  }
0x3d: {  	_ =	shalt  }

</sc_bundles>
